<compile_context>
chip_gen: v7x
topology: tpu7x:2x2x1
jax: 0.10.2.dev20260603
libtpu: 0.0.44.dev20260713+nightly
codegen_flags: <defaults>
</compile_context>

<pallas_src>
import functools

import jax
import jax.numpy as jnp
from jax import lax
from jax.experimental import pallas as pl
from jax.experimental.pallas import tpu as pltpu
from jax.experimental.pallas import tpu_sc as plsc

_B = 128
_CH = 48
_F = 16
_THW = 4096
_PERIOD = 256
_NCORES = 2
_NSUB = 16
_B_PER_CORE = _B // _NCORES
_WINDOW = 8


def _sc_body(col_hbm, row_hbm, temp_hbm, out_hbm, colv, rowv, tempv, patv, sem):
    c = lax.axis_index("c")
    s = lax.axis_index("s")

    pltpu.sync_copy(col_hbm, colv)
    pltpu.sync_copy(row_hbm, rowv)
    pltpu.sync_copy(temp_hbm, tempv)

    lane = lax.iota(jnp.int32, 16)

    for k in range(3):
        ch = s * 3 + k
        ch_vec = jnp.full((16,), ch, jnp.int32)
        is_a = ch_vec < _F
        is_b = ch_vec < 2 * _F
        cha = jnp.full((16,), jnp.minimum(ch, 15), jnp.int32)
        chb = jnp.full((16,), jnp.clip(ch - _F, 0, 15), jnp.int32)
        chc = jnp.full((16,), jnp.clip(ch - 2 * _F, 0, 15), jnp.int32)
        for j in range(16):
            a = plsc.load_gather(colv, [jnp.full((16,), 16 * j, jnp.int32) + cha])
            bv = plsc.load_gather(rowv, [lane * 16 + chb])
            cv = plsc.load_gather(tempv, [chc * 16 + lane])
            v = jnp.where(is_a, a, jnp.where(is_b, bv, cv))
            patv[k, 0, pl.ds(16 * j, 16)] = v

    def rep_body(rep, carry):
        for k in range(3):
            for j in range(16):
                patv[k, rep, pl.ds(16 * j, 16)] = patv[k, 0, pl.ds(16 * j, 16)]
        return carry

    lax.fori_loop(1, 16, rep_body, 0)

    b0 = c * _B_PER_CORE
    ch0 = s * 3

    def issue(i, carry):
        dst = out_hbm.at[b0 + i, pl.ds(ch0, 3), :, :]
        pltpu.make_async_copy(patv, dst, sem).start()

        @pl.when(i >= _WINDOW)
        def _():
            prev = out_hbm.at[b0 + i - _WINDOW, pl.ds(ch0, 3), :, :]
            pltpu.make_async_copy(patv, prev, sem).wait()

        return carry

    lax.fori_loop(0, _B_PER_CORE, issue, 0)

    def drain(i, carry):
        dst = out_hbm.at[b0 + i, pl.ds(ch0, 3), :, :]
        pltpu.make_async_copy(patv, dst, sem).wait()
        return carry

    lax.fori_loop(_B_PER_CORE - _WINDOW, _B_PER_CORE, drain, 0)


@functools.partial(jax.jit, static_argnums=())
def _sc_call(col16, row16, temp16):
    mesh = plsc.VectorSubcoreMesh(
        core_axis_name="c", subcore_axis_name="s", num_cores=_NCORES)
    f = pl.kernel(
        _sc_body,
        out_type=jax.ShapeDtypeStruct((_B, _CH, 16, _PERIOD), jnp.float32),
        mesh=mesh,
        scratch_types=[
            pltpu.VMEM((256,), jnp.float32),
            pltpu.VMEM((256,), jnp.float32),
            pltpu.VMEM((256,), jnp.float32),
            pltpu.VMEM((3, 16, _PERIOD), jnp.float32),
            pltpu.SemaphoreType.DMA,
        ],
        compiler_params=pltpu.CompilerParams(needs_layout_passes=False),
    )
    return f(col16, row16, temp16)


def kernel(x, row_embed, col_embed, temp_embed):
    b, d, t, h, w = x.shape
    f = row_embed.shape[1]
    out_flat = _sc_call(
        col_embed[:h].reshape(-1),
        row_embed[:w].reshape(-1),
        temp_embed[:t].reshape(-1),
    )
    return out_flat.reshape(b, 3 * f, t, h, w)

# --- scband reference (transcript-rebuilt; emitter-appended) ---
"""Pipeline reference for scband-position-embedding-learned-57939108823088 (READ-ONLY COPY).

The authoritative reference and input builder live on the scoring server;
editing this copy changes nothing except your own understanding.
"""

import jax, jax.numpy as jnp
import numpy as np


def setup_inputs(seed: int = 0) -> dict:
    key = jax.random.key(seed)
    k1, k2, k3, k4 = jax.random.split(key, 4)
    x = jax.random.normal(k1, (128, 128, 16, 16, 16), dtype=jnp.float32)
    # Learned embedding tables (nn.Embedding weights, init uniform_[0,1))
    row_embed = jax.random.uniform(k2, (50, 16), dtype=jnp.float32)
    col_embed = jax.random.uniform(k3, (50, 16), dtype=jnp.float32)
    temp_embed = jax.random.uniform(k4, (20, 16), dtype=jnp.float32)
    return {"x": x, "row_embed": row_embed, "col_embed": col_embed, "temp_embed": temp_embed}


def reference(x, row_embed, col_embed, temp_embed):
    b, d, t, h, w = x.shape
    i = jnp.arange(w)
    j = jnp.arange(h)
    k = jnp.arange(t)
    # x_emb: col_embed(i) [w,F] -> unsqueeze(1).repeat(1,w,1) -> [w,w,F]
    x_emb = jnp.take(col_embed, i, axis=0)
    x_emb = jnp.tile(x_emb[:, None, :], (1, w, 1))
    x_emb = jnp.tile(x_emb[None, :, :, :], (t, 1, 1, 1))
    x_emb = jnp.tile(x_emb[None, :, :, :, :], (b, 1, 1, 1, 1))
    x_emb = jnp.transpose(x_emb, (0, 4, 1, 2, 3))
    # y_emb: row_embed(j) [h,F] -> unsqueeze(0).repeat(h,1,1) -> [h,h,F]
    y_emb = jnp.take(row_embed, j, axis=0)
    y_emb = jnp.tile(y_emb[None, :, :], (h, 1, 1))
    y_emb = jnp.tile(y_emb[None, :, :, :], (t, 1, 1, 1))
    y_emb = jnp.tile(y_emb[None, :, :, :, :], (b, 1, 1, 1, 1))
    y_emb = jnp.transpose(y_emb, (0, 4, 1, 2, 3))
    # t_emb: temp_embed(k) [t,F] -> [t,w,F] -> [t,h,w,F] -> [b,t,h,w,F]  (NOT permuted, faithful to original)
    t_emb = jnp.take(temp_embed, k, axis=0)
    t_emb = jnp.tile(t_emb[:, None, :], (1, w, 1))
    t_emb = jnp.tile(t_emb[:, None, :, :], (1, h, 1, 1))
    t_emb = jnp.tile(t_emb[None, :, :, :, :], (b, 1, 1, 1, 1))
    pos = jnp.concatenate([x_emb, y_emb, t_emb], axis=1)
    return pos

if __name__ == "__main__":
    import jax
    _d = setup_inputs()
    print(jax.jit(kernel)(*tuple(_d.values())))

</pallas_src>

<mosaic_0001>
#map = affine_map<(d0, d1) -> (0)>
#map1 = affine_map<(d0, d1) -> (0, 0, 0, 0)>
module attributes {stable_mosaic.version = 14 : i64} {
  func.func @_sc_body(%arg0: i32, %arg1: i32, %arg2: memref<256xf32, #tpu.memory_space<hbm>>, %arg3: memref<256xf32, #tpu.memory_space<hbm>>, %arg4: memref<256xf32, #tpu.memory_space<hbm>>, %arg5: memref<128x48x16x256xf32, #tpu.memory_space<hbm>>, %arg6: memref<256xf32, #tpu.memory_space<vmem>>, %arg7: memref<256xf32, #tpu.memory_space<vmem>>, %arg8: memref<256xf32, #tpu.memory_space<vmem>>, %arg9: memref<3x16x256xf32, #tpu.memory_space<vmem>>, %arg10: memref<!tpu.dma_semaphore, #tpu.memory_space<semaphore_mem>>) attributes {dimension_semantics = [#tpu.dimension_semantics<core_parallel>, #tpu.dimension_semantics<subcore_parallel>], iteration_bounds = array<i64: 2, 16>, scalar_prefetch = 0 : i64, scratch_operands = 5 : i64, tpu.core_type = #tpu.core_type<sc_vector_subcore>, window_params = [{transform_indices = #map}, {transform_indices = #map}, {transform_indices = #map}, {transform_indices = #map1}]} {
    "tpu.region"() ({
      %run_scoped3A = tpu.sem_alloc : memref<!tpu.dma_semaphore, #tpu.memory_space<semaphore_mem>>
      tpu.enqueue_dma source(%arg2 : memref<256xf32, #tpu.memory_space<hbm>>) target(%arg6 : memref<256xf32, #tpu.memory_space<vmem>>) target_semaphore(%run_scoped3A : memref<!tpu.dma_semaphore, #tpu.memory_space<semaphore_mem>>)
      tpu.wait_dma2 semaphore(%run_scoped3A : memref<!tpu.dma_semaphore, #tpu.memory_space<semaphore_mem>>) src(%arg2 : memref<256xf32, #tpu.memory_space<hbm>>) dst(%arg6 : memref<256xf32, #tpu.memory_space<vmem>>)
      tpu.yield
    }) : () -> ()
    "tpu.region"() ({
      %run_scoped3A = tpu.sem_alloc : memref<!tpu.dma_semaphore, #tpu.memory_space<semaphore_mem>>
      tpu.enqueue_dma source(%arg3 : memref<256xf32, #tpu.memory_space<hbm>>) target(%arg7 : memref<256xf32, #tpu.memory_space<vmem>>) target_semaphore(%run_scoped3A : memref<!tpu.dma_semaphore, #tpu.memory_space<semaphore_mem>>)
      tpu.wait_dma2 semaphore(%run_scoped3A : memref<!tpu.dma_semaphore, #tpu.memory_space<semaphore_mem>>) src(%arg3 : memref<256xf32, #tpu.memory_space<hbm>>) dst(%arg7 : memref<256xf32, #tpu.memory_space<vmem>>)
      tpu.yield
    }) : () -> ()
    "tpu.region"() ({
      %run_scoped3A = tpu.sem_alloc : memref<!tpu.dma_semaphore, #tpu.memory_space<semaphore_mem>>
      tpu.enqueue_dma source(%arg4 : memref<256xf32, #tpu.memory_space<hbm>>) target(%arg8 : memref<256xf32, #tpu.memory_space<vmem>>) target_semaphore(%run_scoped3A : memref<!tpu.dma_semaphore, #tpu.memory_space<semaphore_mem>>)
      tpu.wait_dma2 semaphore(%run_scoped3A : memref<!tpu.dma_semaphore, #tpu.memory_space<semaphore_mem>>) src(%arg4 : memref<256xf32, #tpu.memory_space<hbm>>) dst(%arg8 : memref<256xf32, #tpu.memory_space<vmem>>)
      tpu.yield
    }) : () -> ()
    %iota3A = tpu.iota {dimensions = array<i32: 0>} : vector<16xi32>
    %mul3A = arith.constant 3 : i32
    %mul3A_0 = arith.muli %arg1, %mul3A : i32
    %add3A = arith.constant 0 : i32
    %add3A_1 = arith.addi %mul3A_0, %add3A : i32
    %broadcast_in_dim3A = vector.broadcast %add3A_1 : i32 to vector<16xi32>
    %lt3A = arith.constant 16 : i32
    %lt3A_2 = vector.broadcast %lt3A : i32 to vector<16xi32>
    %lt3A_3 = arith.cmpi slt, %broadcast_in_dim3A, %lt3A_2 : vector<16xi32>
    %lt3A_4 = arith.constant 32 : i32
    %lt3A_5 = vector.broadcast %lt3A_4 : i32 to vector<16xi32>
    %lt3A_6 = arith.cmpi slt, %broadcast_in_dim3A, %lt3A_5 : vector<16xi32>
    %min3A = arith.constant 15 : i32
    %min3A_7 = arith.minsi %add3A_1, %min3A : i32
    %broadcast_in_dim3A_8 = vector.broadcast %min3A_7 : i32 to vector<16xi32>
    %sub3A = arith.constant 16 : i32
    %sub3A_9 = arith.subi %add3A_1, %sub3A : i32
    %jit3A = arith.constant 0 : i32
    %jit3A_10 = arith.constant 15 : i32
    %max3A = arith.maxsi %jit3A, %sub3A_9 : i32
    %min3A_11 = arith.minsi %jit3A_10, %max3A : i32
    %broadcast_in_dim3A_12 = vector.broadcast %min3A_11 : i32 to vector<16xi32>
    %sub3A_13 = arith.constant 32 : i32
    %sub3A_14 = arith.subi %add3A_1, %sub3A_13 : i32
    %jit3A_15 = arith.constant 0 : i32
    %jit3A_16 = arith.constant 15 : i32
    %max3A_17 = arith.maxsi %jit3A_15, %sub3A_14 : i32
    %min3A_18 = arith.minsi %jit3A_16, %max3A_17 : i32
    %broadcast_in_dim3A_19 = vector.broadcast %min3A_18 : i32 to vector<16xi32>
    %broadcast_in_dim3A_20 = arith.constant 0 : i32
    %broadcast_in_dim3A_21 = vector.broadcast %broadcast_in_dim3A_20 : i32 to vector<16xi32>
    %add3A_22 = arith.addi %broadcast_in_dim3A_21, %broadcast_in_dim3A_8 : vector<16xi32>
    %gather3A = tpu.vector_load_idx %arg6[%add3A_22] : memref<256xf32, #tpu.memory_space<vmem>>[vector<16xi32>], vector<16xf32>,
    %mul3A_23 = arith.constant 16 : i32
    %mul3A_24 = vector.broadcast %mul3A_23 : i32 to vector<16xi32>
    %mul3A_25 = arith.muli %iota3A, %mul3A_24 : vector<16xi32>
    %add3A_26 = arith.addi %mul3A_25, %broadcast_in_dim3A_12 : vector<16xi32>
    %gather3A_27 = tpu.vector_load_idx %arg7[%add3A_26] : memref<256xf32, #tpu.memory_space<vmem>>[vector<16xi32>], vector<16xf32>,
    %mul3A_28 = arith.constant 16 : i32
    %mul3A_29 = vector.broadcast %mul3A_28 : i32 to vector<16xi32>
    %mul3A_30 = arith.muli %broadcast_in_dim3A_19, %mul3A_29 : vector<16xi32>
    %add3A_31 = arith.addi %mul3A_30, %iota3A : vector<16xi32>
    %gather3A_32 = tpu.vector_load_idx %arg8[%add3A_31] : memref<256xf32, #tpu.memory_space<vmem>>[vector<16xi32>], vector<16xf32>,
    %select_n3A = arith.select %lt3A_6, %gather3A_27, %gather3A_32 : vector<16xi1>, vector<16xf32>
    %select_n3A_33 = arith.select %lt3A_3, %gather3A, %select_n3A : vector<16xi1>, vector<16xf32>
    %swap3A = arith.constant 0 : i32
    %swap3A_34 = arith.constant 0 : i32
    %swap3A_35 = arith.index_cast %swap3A : i32 to index
    %swap3A_36 = arith.index_cast %swap3A_34 : i32 to index
    %swap3A_37 = arith.constant 0 : index
    %swap3A_38 = tpu.vector_load %arg9[%swap3A_35, %swap3A_36, %swap3A_37] {strides = array<i32>} : memref<3x16x256xf32, #tpu.memory_space<vmem>>, vector<16xf32>,
    tpu.vector_store %arg9[%swap3A_35, %swap3A_36, %swap3A_37], %select_n3A_33 {strides = array<i32>} : memref<3x16x256xf32, #tpu.memory_space<vmem>>, vector<16xf32>,
    %broadcast_in_dim3A_39 = arith.constant 16 : i32
    %broadcast_in_dim3A_40 = vector.broadcast %broadcast_in_dim3A_39 : i32 to vector<16xi32>
    %add3A_41 = arith.addi %broadcast_in_dim3A_40, %broadcast_in_dim3A_8 : vector<16xi32>
    %gather3A_42 = tpu.vector_load_idx %arg6[%add3A_41] : memref<256xf32, #tpu.memory_space<vmem>>[vector<16xi32>], vector<16xf32>,
    %mul3A_43 = arith.constant 16 : i32
    %mul3A_44 = vector.broadcast %mul3A_43 : i32 to vector<16xi32>
    %mul3A_45 = arith.muli %iota3A, %mul3A_44 : vector<16xi32>
    %add3A_46 = arith.addi %mul3A_45, %broadcast_in_dim3A_12 : vector<16xi32>
    %gather3A_47 = tpu.vector_load_idx %arg7[%add3A_46] : memref<256xf32, #tpu.memory_space<vmem>>[vector<16xi32>], vector<16xf32>,
    %mul3A_48 = arith.constant 16 : i32
    %mul3A_49 = vector.broadcast %mul3A_48 : i32 to vector<16xi32>
    %mul3A_50 = arith.muli %broadcast_in_dim3A_19, %mul3A_49 : vector<16xi32>
    %add3A_51 = arith.addi %mul3A_50, %iota3A : vector<16xi32>
    %gather3A_52 = tpu.vector_load_idx %arg8[%add3A_51] : memref<256xf32, #tpu.memory_space<vmem>>[vector<16xi32>], vector<16xf32>,
    %select_n3A_53 = arith.select %lt3A_6, %gather3A_47, %gather3A_52 : vector<16xi1>, vector<16xf32>
    %select_n3A_54 = arith.select %lt3A_3, %gather3A_42, %select_n3A_53 : vector<16xi1>, vector<16xf32>
    %swap3A_55 = arith.constant 0 : i32
    %swap3A_56 = arith.constant 0 : i32
    %swap3A_57 = arith.index_cast %swap3A_55 : i32 to index
    %swap3A_58 = arith.index_cast %swap3A_56 : i32 to index
    %swap3A_59 = arith.constant 16 : index
    %swap3A_60 = tpu.vector_load %arg9[%swap3A_57, %swap3A_58, %swap3A_59] {strides = array<i32>} : memref<3x16x256xf32, #tpu.memory_space<vmem>>, vector<16xf32>,
    tpu.vector_store %arg9[%swap3A_57, %swap3A_58, %swap3A_59], %select_n3A_54 {strides = array<i32>} : memref<3x16x256xf32, #tpu.memory_space<vmem>>, vector<16xf32>,
    %broadcast_in_dim3A_61 = arith.constant 32 : i32
    %broadcast_in_dim3A_62 = vector.broadcast %broadcast_in_dim3A_61 : i32 to vector<16xi32>
    %add3A_63 = arith.addi %broadcast_in_dim3A_62, %broadcast_in_dim3A_8 : vector<16xi32>
    %gather3A_64 = tpu.vector_load_idx %arg6[%add3A_63] : memref<256xf32, #tpu.memory_space<vmem>>[vector<16xi32>], vector<16xf32>,
    %mul3A_65 = arith.constant 16 : i32
    %mul3A_66 = vector.broadcast %mul3A_65 : i32 to vector<16xi32>
    %mul3A_67 = arith.muli %iota3A, %mul3A_66 : vector<16xi32>
    %add3A_68 = arith.addi %mul3A_67, %broadcast_in_dim3A_12 : vector<16xi32>
    %gather3A_69 = tpu.vector_load_idx %arg7[%add3A_68] : memref<256xf32, #tpu.memory_space<vmem>>[vector<16xi32>], vector<16xf32>,
    %mul3A_70 = arith.constant 16 : i32
    %mul3A_71 = vector.broadcast %mul3A_70 : i32 to vector<16xi32>
    %mul3A_72 = arith.muli %broadcast_in_dim3A_19, %mul3A_71 : vector<16xi32>
    %add3A_73 = arith.addi %mul3A_72, %iota3A : vector<16xi32>
    %gather3A_74 = tpu.vector_load_idx %arg8[%add3A_73] : memref<256xf32, #tpu.memory_space<vmem>>[vector<16xi32>], vector<16xf32>,
    %select_n3A_75 = arith.select %lt3A_6, %gather3A_69, %gather3A_74 : vector<16xi1>, vector<16xf32>
    %select_n3A_76 = arith.select %lt3A_3, %gather3A_64, %select_n3A_75 : vector<16xi1>, vector<16xf32>
    %swap3A_77 = arith.constant 0 : i32
    %swap3A_78 = arith.constant 0 : i32
    %swap3A_79 = arith.index_cast %swap3A_77 : i32 to index
    %swap3A_80 = arith.index_cast %swap3A_78 : i32 to index
    %swap3A_81 = arith.constant 32 : index
    %swap3A_82 = tpu.vector_load %arg9[%swap3A_79, %swap3A_80, %swap3A_81] {strides = array<i32>} : memref<3x16x256xf32, #tpu.memory_space<vmem>>, vector<16xf32>,
    tpu.vector_store %arg9[%swap3A_79, %swap3A_80, %swap3A_81], %select_n3A_76 {strides = array<i32>} : memref<3x16x256xf32, #tpu.memory_space<vmem>>, vector<16xf32>,
    %broadcast_in_dim3A_83 = arith.constant 48 : i32
    %broadcast_in_dim3A_84 = vector.broadcast %broadcast_in_dim3A_83 : i32 to vector<16xi32>
    %add3A_85 = arith.addi %broadcast_in_dim3A_84, %broadcast_in_dim3A_8 : vector<16xi32>
    %gather3A_86 = tpu.vector_load_idx %arg6[%add3A_85] : memref<256xf32, #tpu.memory_space<vmem>>[vector<16xi32>], vector<16xf32>,
    %mul3A_87 = arith.constant 16 : i32
    %mul3A_88 = vector.broadcast %mul3A_87 : i32 to vector<16xi32>
    %mul3A_89 = arith.muli %iota3A, %mul3A_88 : vector<16xi32>
    %add3A_90 = arith.addi %mul3A_89, %broadcast_in_dim3A_12 : vector<16xi32>
    %gather3A_91 = tpu.vector_load_idx %arg7[%add3A_90] : memref<256xf32, #tpu.memory_space<vmem>>[vector<16xi32>], vector<16xf32>,
    %mul3A_92 = arith.constant 16 : i32
    %mul3A_93 = vector.broadcast %mul3A_92 : i32 to vector<16xi32>
    %mul3A_94 = arith.muli %broadcast_in_dim3A_19, %mul3A_93 : vector<16xi32>
    %add3A_95 = arith.addi %mul3A_94, %iota3A : vector<16xi32>
    %gather3A_96 = tpu.vector_load_idx %arg8[%add3A_95] : memref<256xf32, #tpu.memory_space<vmem>>[vector<16xi32>], vector<16xf32>,
    %select_n3A_97 = arith.select %lt3A_6, %gather3A_91, %gather3A_96 : vector<16xi1>, vector<16xf32>
    %select_n3A_98 = arith.select %lt3A_3, %gather3A_86, %select_n3A_97 : vector<16xi1>, vector<16xf32>
    %swap3A_99 = arith.constant 0 : i32
    %swap3A_100 = arith.constant 0 : i32
    %swap3A_101 = arith.index_cast %swap3A_99 : i32 to index
    %swap3A_102 = arith.index_cast %swap3A_100 : i32 to index
    %swap3A_103 = arith.constant 48 : index
    %swap3A_104 = tpu.vector_load %arg9[%swap3A_101, %swap3A_102, %swap3A_103] {strides = array<i32>} : memref<3x16x256xf32, #tpu.memory_space<vmem>>, vector<16xf32>,
    tpu.vector_store %arg9[%swap3A_101, %swap3A_102, %swap3A_103], %select_n3A_98 {strides = array<i32>} : memref<3x16x256xf32, #tpu.memory_space<vmem>>, vector<16xf32>,
    %broadcast_in_dim3A_105 = arith.constant 64 : i32
    %broadcast_in_dim3A_106 = vector.broadcast %broadcast_in_dim3A_105 : i32 to vector<16xi32>
    %add3A_107 = arith.addi %broadcast_in_dim3A_106, %broadcast_in_dim3A_8 : vector<16xi32>
    %gather3A_108 = tpu.vector_load_idx %arg6[%add3A_107] : memref<256xf32, #tpu.memory_space<vmem>>[vector<16xi32>], vector<16xf32>,
    %mul3A_109 = arith.constant 16 : i32
    %mul3A_110 = vector.broadcast %mul3A_109 : i32 to vector<16xi32>
    %mul3A_111 = arith.muli %iota3A, %mul3A_110 : vector<16xi32>
    %add3A_112 = arith.addi %mul3A_111, %broadcast_in_dim3A_12 : vector<16xi32>
    %gather3A_113 = tpu.vector_load_idx %arg7[%add3A_112] : memref<256xf32, #tpu.memory_space<vmem>>[vector<16xi32>], vector<16xf32>,
    %mul3A_114 = arith.constant 16 : i32
    %mul3A_115 = vector.broadcast %mul3A_114 : i32 to vector<16xi32>
    %mul3A_116 = arith.muli %broadcast_in_dim3A_19, %mul3A_115 : vector<16xi32>
    %add3A_117 = arith.addi %mul3A_116, %iota3A : vector<16xi32>
    %gather3A_118 = tpu.vector_load_idx %arg8[%add3A_117] : memref<256xf32, #tpu.memory_space<vmem>>[vector<16xi32>], vector<16xf32>,
    %select_n3A_119 = arith.select %lt3A_6, %gather3A_113, %gather3A_118 : vector<16xi1>, vector<16xf32>
    %select_n3A_120 = arith.select %lt3A_3, %gather3A_108, %select_n3A_119 : vector<16xi1>, vector<16xf32>
    %swap3A_121 = arith.constant 0 : i32
    %swap3A_122 = arith.constant 0 : i32
    %swap3A_123 = arith.index_cast %swap3A_121 : i32 to index
    %swap3A_124 = arith.index_cast %swap3A_122 : i32 to index
    %swap3A_125 = arith.constant 64 : index
    %swap3A_126 = tpu.vector_load %arg9[%swap3A_123, %swap3A_124, %swap3A_125] {strides = array<i32>} : memref<3x16x256xf32, #tpu.memory_space<vmem>>, vector<16xf32>,
    tpu.vector_store %arg9[%swap3A_123, %swap3A_124, %swap3A_125], %select_n3A_120 {strides = array<i32>} : memref<3x16x256xf32, #tpu.memory_space<vmem>>, vector<16xf32>,
    %broadcast_in_dim3A_127 = arith.constant 80 : i32
    %broadcast_in_dim3A_128 = vector.broadcast %broadcast_in_dim3A_127 : i32 to vector<16xi32>
    %add3A_129 = arith.addi %broadcast_in_dim3A_128, %broadcast_in_dim3A_8 : vector<16xi32>
    %gather3A_130 = tpu.vector_load_idx %arg6[%add3A_129] : memref<256xf32, #tpu.memory_space<vmem>>[vector<16xi32>], vector<16xf32>,
    %mul3A_131 = arith.constant 16 : i32
    %mul3A_132 = vector.broadcast %mul3A_131 : i32 to vector<16xi32>
    %mul3A_133 = arith.muli %iota3A, %mul3A_132 : vector<16xi32>
    %add3A_134 = arith.addi %mul3A_133, %broadcast_in_dim3A_12 : vector<16xi32>
    %gather3A_135 = tpu.vector_load_idx %arg7[%add3A_134] : memref<256xf32, #tpu.memory_space<vmem>>[vector<16xi32>], vector<16xf32>,
    %mul3A_136 = arith.constant 16 : i32
    %mul3A_137 = vector.broadcast %mul3A_136 : i32 to vector<16xi32>
    %mul3A_138 = arith.muli %broadcast_in_dim3A_19, %mul3A_137 : vector<16xi32>
    %add3A_139 = arith.addi %mul3A_138, %iota3A : vector<16xi32>
    %gather3A_140 = tpu.vector_load_idx %arg8[%add3A_139] : memref<256xf32, #tpu.memory_space<vmem>>[vector<16xi32>], vector<16xf32>,
    %select_n3A_141 = arith.select %lt3A_6, %gather3A_135, %gather3A_140 : vector<16xi1>, vector<16xf32>
    %select_n3A_142 = arith.select %lt3A_3, %gather3A_130, %select_n3A_141 : vector<16xi1>, vector<16xf32>
    %swap3A_143 = arith.constant 0 : i32
    %swap3A_144 = arith.constant 0 : i32
    %swap3A_145 = arith.index_cast %swap3A_143 : i32 to index
    %swap3A_146 = arith.index_cast %swap3A_144 : i32 to index
    %swap3A_147 = arith.constant 80 : index
    %swap3A_148 = tpu.vector_load %arg9[%swap3A_145, %swap3A_146, %swap3A_147] {strides = array<i32>} : memref<3x16x256xf32, #tpu.memory_space<vmem>>, vector<16xf32>,
    tpu.vector_store %arg9[%swap3A_145, %swap3A_146, %swap3A_147], %select_n3A_142 {strides = array<i32>} : memref<3x16x256xf32, #tpu.memory_space<vmem>>, vector<16xf32>,
    %broadcast_in_dim3A_149 = arith.constant 96 : i32
    %broadcast_in_dim3A_150 = vector.broadcast %broadcast_in_dim3A_149 : i32 to vector<16xi32>
    %add3A_151 = arith.addi %broadcast_in_dim3A_150, %broadcast_in_dim3A_8 : vector<16xi32>
    %gather3A_152 = tpu.vector_load_idx %arg6[%add3A_151] : memref<256xf32, #tpu.memory_space<vmem>>[vector<16xi32>], vector<16xf32>,
    %mul3A_153 = arith.constant 16 : i32
    %mul3A_154 = vector.broadcast %mul3A_153 : i32 to vector<16xi32>
    %mul3A_155 = arith.muli %iota3A, %mul3A_154 : vector<16xi32>
    %add3A_156 = arith.addi %mul3A_155, %broadcast_in_dim3A_12 : vector<16xi32>
    %gather3A_157 = tpu.vector_load_idx %arg7[%add3A_156] : memref<256xf32, #tpu.memory_space<vmem>>[vector<16xi32>], vector<16xf32>,
    %mul3A_158 = arith.constant 16 : i32
    %mul3A_159 = vector.broadcast %mul3A_158 : i32 to vector<16xi32>
    %mul3A_160 = arith.muli %broadcast_in_dim3A_19, %mul3A_159 : vector<16xi32>
    %add3A_161 = arith.addi %mul3A_160, %iota3A : vector<16xi32>
    %gather3A_162 = tpu.vector_load_idx %arg8[%add3A_161] : memref<256xf32, #tpu.memory_space<vmem>>[vector<16xi32>], vector<16xf32>,
    %select_n3A_163 = arith.select %lt3A_6, %gather3A_157, %gather3A_162 : vector<16xi1>, vector<16xf32>
    %select_n3A_164 = arith.select %lt3A_3, %gather3A_152, %select_n3A_163 : vector<16xi1>, vector<16xf32>
    %swap3A_165 = arith.constant 0 : i32
    %swap3A_166 = arith.constant 0 : i32
    %swap3A_167 = arith.index_cast %swap3A_165 : i32 to index
    %swap3A_168 = arith.index_cast %swap3A_166 : i32 to index
    %swap3A_169 = arith.constant 96 : index
    %swap3A_170 = tpu.vector_load %arg9[%swap3A_167, %swap3A_168, %swap3A_169] {strides = array<i32>} : memref<3x16x256xf32, #tpu.memory_space<vmem>>, vector<16xf32>,
    tpu.vector_store %arg9[%swap3A_167, %swap3A_168, %swap3A_169], %select_n3A_164 {strides = array<i32>} : memref<3x16x256xf32, #tpu.memory_space<vmem>>, vector<16xf32>,
    %broadcast_in_dim3A_171 = arith.constant 112 : i32
    %broadcast_in_dim3A_172 = vector.broadcast %broadcast_in_dim3A_171 : i32 to vector<16xi32>
    %add3A_173 = arith.addi %broadcast_in_dim3A_172, %broadcast_in_dim3A_8 : vector<16xi32>
    %gather3A_174 = tpu.vector_load_idx %arg6[%add3A_173] : memref<256xf32, #tpu.memory_space<vmem>>[vector<16xi32>], vector<16xf32>,
    %mul3A_175 = arith.constant 16 : i32
    %mul3A_176 = vector.broadcast %mul3A_175 : i32 to vector<16xi32>
    %mul3A_177 = arith.muli %iota3A, %mul3A_176 : vector<16xi32>
    %add3A_178 = arith.addi %mul3A_177, %broadcast_in_dim3A_12 : vector<16xi32>
    %gather3A_179 = tpu.vector_load_idx %arg7[%add3A_178] : memref<256xf32, #tpu.memory_space<vmem>>[vector<16xi32>], vector<16xf32>,
    %mul3A_180 = arith.constant 16 : i32
    %mul3A_181 = vector.broadcast %mul3A_180 : i32 to vector<16xi32>
    %mul3A_182 = arith.muli %broadcast_in_dim3A_19, %mul3A_181 : vector<16xi32>
    %add3A_183 = arith.addi %mul3A_182, %iota3A : vector<16xi32>
    %gather3A_184 = tpu.vector_load_idx %arg8[%add3A_183] : memref<256xf32, #tpu.memory_space<vmem>>[vector<16xi32>], vector<16xf32>,
    %select_n3A_185 = arith.select %lt3A_6, %gather3A_179, %gather3A_184 : vector<16xi1>, vector<16xf32>
    %select_n3A_186 = arith.select %lt3A_3, %gather3A_174, %select_n3A_185 : vector<16xi1>, vector<16xf32>
    %swap3A_187 = arith.constant 0 : i32
    %swap3A_188 = arith.constant 0 : i32
    %swap3A_189 = arith.index_cast %swap3A_187 : i32 to index
    %swap3A_190 = arith.index_cast %swap3A_188 : i32 to index
    %swap3A_191 = arith.constant 112 : index
    %swap3A_192 = tpu.vector_load %arg9[%swap3A_189, %swap3A_190, %swap3A_191] {strides = array<i32>} : memref<3x16x256xf32, #tpu.memory_space<vmem>>, vector<16xf32>,
    tpu.vector_store %arg9[%swap3A_189, %swap3A_190, %swap3A_191], %select_n3A_186 {strides = array<i32>} : memref<3x16x256xf32, #tpu.memory_space<vmem>>, vector<16xf32>,
    %broadcast_in_dim3A_193 = arith.constant 128 : i32
    %broadcast_in_dim3A_194 = vector.broadcast %broadcast_in_dim3A_193 : i32 to vector<16xi32>
    %add3A_195 = arith.addi %broadcast_in_dim3A_194, %broadcast_in_dim3A_8 : vector<16xi32>
    %gather3A_196 = tpu.vector_load_idx %arg6[%add3A_195] : memref<256xf32, #tpu.memory_space<vmem>>[vector<16xi32>], vector<16xf32>,
    %mul3A_197 = arith.constant 16 : i32
    %mul3A_198 = vector.broadcast %mul3A_197 : i32 to vector<16xi32>
    %mul3A_199 = arith.muli %iota3A, %mul3A_198 : vector<16xi32>
    %add3A_200 = arith.addi %mul3A_199, %broadcast_in_dim3A_12 : vector<16xi32>
    %gather3A_201 = tpu.vector_load_idx %arg7[%add3A_200] : memref<256xf32, #tpu.memory_space<vmem>>[vector<16xi32>], vector<16xf32>,
    %mul3A_202 = arith.constant 16 : i32
    %mul3A_203 = vector.broadcast %mul3A_202 : i32 to vector<16xi32>
    %mul3A_204 = arith.muli %broadcast_in_dim3A_19, %mul3A_203 : vector<16xi32>
    %add3A_205 = arith.addi %mul3A_204, %iota3A : vector<16xi32>
    %gather3A_206 = tpu.vector_load_idx %arg8[%add3A_205] : memref<256xf32, #tpu.memory_space<vmem>>[vector<16xi32>], vector<16xf32>,
    %select_n3A_207 = arith.select %lt3A_6, %gather3A_201, %gather3A_206 : vector<16xi1>, vector<16xf32>
    %select_n3A_208 = arith.select %lt3A_3, %gather3A_196, %select_n3A_207 : vector<16xi1>, vector<16xf32>
    %swap3A_209 = arith.constant 0 : i32
    %swap3A_210 = arith.constant 0 : i32
    %swap3A_211 = arith.index_cast %swap3A_209 : i32 to index
    %swap3A_212 = arith.index_cast %swap3A_210 : i32 to index
    %swap3A_213 = arith.constant 128 : index
    %swap3A_214 = tpu.vector_load %arg9[%swap3A_211, %swap3A_212, %swap3A_213] {strides = array<i32>} : memref<3x16x256xf32, #tpu.memory_space<vmem>>, vector<16xf32>,
    tpu.vector_store %arg9[%swap3A_211, %swap3A_212, %swap3A_213], %select_n3A_208 {strides = array<i32>} : memref<3x16x256xf32, #tpu.memory_space<vmem>>, vector<16xf32>,
    %broadcast_in_dim3A_215 = arith.constant 144 : i32
    %broadcast_in_dim3A_216 = vector.broadcast %broadcast_in_dim3A_215 : i32 to vector<16xi32>
    %add3A_217 = arith.addi %broadcast_in_dim3A_216, %broadcast_in_dim3A_8 : vector<16xi32>
    %gather3A_218 = tpu.vector_load_idx %arg6[%add3A_217] : memref<256xf32, #tpu.memory_space<vmem>>[vector<16xi32>], vector<16xf32>,
    %mul3A_219 = arith.constant 16 : i32
    %mul3A_220 = vector.broadcast %mul3A_219 : i32 to vector<16xi32>
    %mul3A_221 = arith.muli %iota3A, %mul3A_220 : vector<16xi32>
    %add3A_222 = arith.addi %mul3A_221, %broadcast_in_dim3A_12 : vector<16xi32>
    %gather3A_223 = tpu.vector_load_idx %arg7[%add3A_222] : memref<256xf32, #tpu.memory_space<vmem>>[vector<16xi32>], vector<16xf32>,
    %mul3A_224 = arith.constant 16 : i32
    %mul3A_225 = vector.broadcast %mul3A_224 : i32 to vector<16xi32>
    %mul3A_226 = arith.muli %broadcast_in_dim3A_19, %mul3A_225 : vector<16xi32>
    %add3A_227 = arith.addi %mul3A_226, %iota3A : vector<16xi32>
    %gather3A_228 = tpu.vector_load_idx %arg8[%add3A_227] : memref<256xf32, #tpu.memory_space<vmem>>[vector<16xi32>], vector<16xf32>,
    %select_n3A_229 = arith.select %lt3A_6, %gather3A_223, %gather3A_228 : vector<16xi1>, vector<16xf32>
    %select_n3A_230 = arith.select %lt3A_3, %gather3A_218, %select_n3A_229 : vector<16xi1>, vector<16xf32>
    %swap3A_231 = arith.constant 0 : i32
    %swap3A_232 = arith.constant 0 : i32
    %swap3A_233 = arith.index_cast %swap3A_231 : i32 to index
    %swap3A_234 = arith.index_cast %swap3A_232 : i32 to index
    %swap3A_235 = arith.constant 144 : index
    %swap3A_236 = tpu.vector_load %arg9[%swap3A_233, %swap3A_234, %swap3A_235] {strides = array<i32>} : memref<3x16x256xf32, #tpu.memory_space<vmem>>, vector<16xf32>,
    tpu.vector_store %arg9[%swap3A_233, %swap3A_234, %swap3A_235], %select_n3A_230 {strides = array<i32>} : memref<3x16x256xf32, #tpu.memory_space<vmem>>, vector<16xf32>,
    %broadcast_in_dim3A_237 = arith.constant 160 : i32
    %broadcast_in_dim3A_238 = vector.broadcast %broadcast_in_dim3A_237 : i32 to vector<16xi32>
    %add3A_239 = arith.addi %broadcast_in_dim3A_238, %broadcast_in_dim3A_8 : vector<16xi32>
    %gather3A_240 = tpu.vector_load_idx %arg6[%add3A_239] : memref<256xf32, #tpu.memory_space<vmem>>[vector<16xi32>], vector<16xf32>,
    %mul3A_241 = arith.constant 16 : i32
    %mul3A_242 = vector.broadcast %mul3A_241 : i32 to vector<16xi32>
    %mul3A_243 = arith.muli %iota3A, %mul3A_242 : vector<16xi32>
    %add3A_244 = arith.addi %mul3A_243, %broadcast_in_dim3A_12 : vector<16xi32>
    %gather3A_245 = tpu.vector_load_idx %arg7[%add3A_244] : memref<256xf32, #tpu.memory_space<vmem>>[vector<16xi32>], vector<16xf32>,
    %mul3A_246 = arith.constant 16 : i32
    %mul3A_247 = vector.broadcast %mul3A_246 : i32 to vector<16xi32>
    %mul3A_248 = arith.muli %broadcast_in_dim3A_19, %mul3A_247 : vector<16xi32>
    %add3A_249 = arith.addi %mul3A_248, %iota3A : vector<16xi32>
    %gather3A_250 = tpu.vector_load_idx %arg8[%add3A_249] : memref<256xf32, #tpu.memory_space<vmem>>[vector<16xi32>], vector<16xf32>,
    %select_n3A_251 = arith.select %lt3A_6, %gather3A_245, %gather3A_250 : vector<16xi1>, vector<16xf32>
    %select_n3A_252 = arith.select %lt3A_3, %gather3A_240, %select_n3A_251 : vector<16xi1>, vector<16xf32>
    %swap3A_253 = arith.constant 0 : i32
    %swap3A_254 = arith.constant 0 : i32
    %swap3A_255 = arith.index_cast %swap3A_253 : i32 to index
    %swap3A_256 = arith.index_cast %swap3A_254 : i32 to index
    %swap3A_257 = arith.constant 160 : index
    %swap3A_258 = tpu.vector_load %arg9[%swap3A_255, %swap3A_256, %swap3A_257] {strides = array<i32>} : memref<3x16x256xf32, #tpu.memory_space<vmem>>, vector<16xf32>,
    tpu.vector_store %arg9[%swap3A_255, %swap3A_256, %swap3A_257], %select_n3A_252 {strides = array<i32>} : memref<3x16x256xf32, #tpu.memory_space<vmem>>, vector<16xf32>,
    %broadcast_in_dim3A_259 = arith.constant 176 : i32
    %broadcast_in_dim3A_260 = vector.broadcast %broadcast_in_dim3A_259 : i32 to vector<16xi32>
    %add3A_261 = arith.addi %broadcast_in_dim3A_260, %broadcast_in_dim3A_8 : vector<16xi32>
    %gather3A_262 = tpu.vector_load_idx %arg6[%add3A_261] : memref<256xf32, #tpu.memory_space<vmem>>[vector<16xi32>], vector<16xf32>,
    %mul3A_263 = arith.constant 16 : i32
    %mul3A_264 = vector.broadcast %mul3A_263 : i32 to vector<16xi32>
    %mul3A_265 = arith.muli %iota3A, %mul3A_264 : vector<16xi32>
    %add3A_266 = arith.addi %mul3A_265, %broadcast_in_dim3A_12 : vector<16xi32>
    %gather3A_267 = tpu.vector_load_idx %arg7[%add3A_266] : memref<256xf32, #tpu.memory_space<vmem>>[vector<16xi32>], vector<16xf32>,
    %mul3A_268 = arith.constant 16 : i32
    %mul3A_269 = vector.broadcast %mul3A_268 : i32 to vector<16xi32>
    %mul3A_270 = arith.muli %broadcast_in_dim3A_19, %mul3A_269 : vector<16xi32>
    %add3A_271 = arith.addi %mul3A_270, %iota3A : vector<16xi32>
    %gather3A_272 = tpu.vector_load_idx %arg8[%add3A_271] : memref<256xf32, #tpu.memory_space<vmem>>[vector<16xi32>], vector<16xf32>,
    %select_n3A_273 = arith.select %lt3A_6, %gather3A_267, %gather3A_272 : vector<16xi1>, vector<16xf32>
    %select_n3A_274 = arith.select %lt3A_3, %gather3A_262, %select_n3A_273 : vector<16xi1>, vector<16xf32>
    %swap3A_275 = arith.constant 0 : i32
    %swap3A_276 = arith.constant 0 : i32
    %swap3A_277 = arith.index_cast %swap3A_275 : i32 to index
    %swap3A_278 = arith.index_cast %swap3A_276 : i32 to index
    %swap3A_279 = arith.constant 176 : index
    %swap3A_280 = tpu.vector_load %arg9[%swap3A_277, %swap3A_278, %swap3A_279] {strides = array<i32>} : memref<3x16x256xf32, #tpu.memory_space<vmem>>, vector<16xf32>,
    tpu.vector_store %arg9[%swap3A_277, %swap3A_278, %swap3A_279], %select_n3A_274 {strides = array<i32>} : memref<3x16x256xf32, #tpu.memory_space<vmem>>, vector<16xf32>,
    %broadcast_in_dim3A_281 = arith.constant 192 : i32
    %broadcast_in_dim3A_282 = vector.broadcast %broadcast_in_dim3A_281 : i32 to vector<16xi32>
    %add3A_283 = arith.addi %broadcast_in_dim3A_282, %broadcast_in_dim3A_8 : vector<16xi32>
    %gather3A_284 = tpu.vector_load_idx %arg6[%add3A_283] : memref<256xf32, #tpu.memory_space<vmem>>[vector<16xi32>], vector<16xf32>,
    %mul3A_285 = arith.constant 16 : i32
    %mul3A_286 = vector.broadcast %mul3A_285 : i32 to vector<16xi32>
    %mul3A_287 = arith.muli %iota3A, %mul3A_286 : vector<16xi32>
    %add3A_288 = arith.addi %mul3A_287, %broadcast_in_dim3A_12 : vector<16xi32>
    %gather3A_289 = tpu.vector_load_idx %arg7[%add3A_288] : memref<256xf32, #tpu.memory_space<vmem>>[vector<16xi32>], vector<16xf32>,
    %mul3A_290 = arith.constant 16 : i32
    %mul3A_291 = vector.broadcast %mul3A_290 : i32 to vector<16xi32>
    %mul3A_292 = arith.muli %broadcast_in_dim3A_19, %mul3A_291 : vector<16xi32>
    %add3A_293 = arith.addi %mul3A_292, %iota3A : vector<16xi32>
    %gather3A_294 = tpu.vector_load_idx %arg8[%add3A_293] : memref<256xf32, #tpu.memory_space<vmem>>[vector<16xi32>], vector<16xf32>,
    %select_n3A_295 = arith.select %lt3A_6, %gather3A_289, %gather3A_294 : vector<16xi1>, vector<16xf32>
    %select_n3A_296 = arith.select %lt3A_3, %gather3A_284, %select_n3A_295 : vector<16xi1>, vector<16xf32>
    %swap3A_297 = arith.constant 0 : i32
    %swap3A_298 = arith.constant 0 : i32
    %swap3A_299 = arith.index_cast %swap3A_297 : i32 to index
    %swap3A_300 = arith.index_cast %swap3A_298 : i32 to index
    %swap3A_301 = arith.constant 192 : index
    %swap3A_302 = tpu.vector_load %arg9[%swap3A_299, %swap3A_300, %swap3A_301] {strides = array<i32>} : memref<3x16x256xf32, #tpu.memory_space<vmem>>, vector<16xf32>,
    tpu.vector_store %arg9[%swap3A_299, %swap3A_300, %swap3A_301], %select_n3A_296 {strides = array<i32>} : memref<3x16x256xf32, #tpu.memory_space<vmem>>, vector<16xf32>,
    %broadcast_in_dim3A_303 = arith.constant 208 : i32
    %broadcast_in_dim3A_304 = vector.broadcast %broadcast_in_dim3A_303 : i32 to vector<16xi32>
    %add3A_305 = arith.addi %broadcast_in_dim3A_304, %broadcast_in_dim3A_8 : vector<16xi32>
    %gather3A_306 = tpu.vector_load_idx %arg6[%add3A_305] : memref<256xf32, #tpu.memory_space<vmem>>[vector<16xi32>], vector<16xf32>,
    %mul3A_307 = arith.constant 16 : i32
    %mul3A_308 = vector.broadcast %mul3A_307 : i32 to vector<16xi32>
    %mul3A_309 = arith.muli %iota3A, %mul3A_308 : vector<16xi32>
    %add3A_310 = arith.addi %mul3A_309, %broadcast_in_dim3A_12 : vector<16xi32>
    %gather3A_311 = tpu.vector_load_idx %arg7[%add3A_310] : memref<256xf32, #tpu.memory_space<vmem>>[vector<16xi32>], vector<16xf32>,
    %mul3A_312 = arith.constant 16 : i32
    %mul3A_313 = vector.broadcast %mul3A_312 : i32 to vector<16xi32>
    %mul3A_314 = arith.muli %broadcast_in_dim3A_19, %mul3A_313 : vector<16xi32>
    %add3A_315 = arith.addi %mul3A_314, %iota3A : vector<16xi32>
    %gather3A_316 = tpu.vector_load_idx %arg8[%add3A_315] : memref<256xf32, #tpu.memory_space<vmem>>[vector<16xi32>], vector<16xf32>,
    %select_n3A_317 = arith.select %lt3A_6, %gather3A_311, %gather3A_316 : vector<16xi1>, vector<16xf32>
    %select_n3A_318 = arith.select %lt3A_3, %gather3A_306, %select_n3A_317 : vector<16xi1>, vector<16xf32>
    %swap3A_319 = arith.constant 0 : i32
    %swap3A_320 = arith.constant 0 : i32
    %swap3A_321 = arith.index_cast %swap3A_319 : i32 to index
    %swap3A_322 = arith.index_cast %swap3A_320 : i32 to index
    %swap3A_323 = arith.constant 208 : index
    %swap3A_324 = tpu.vector_load %arg9[%swap3A_321, %swap3A_322, %swap3A_323] {strides = array<i32>} : memref<3x16x256xf32, #tpu.memory_space<vmem>>, vector<16xf32>,
    tpu.vector_store %arg9[%swap3A_321, %swap3A_322, %swap3A_323], %select_n3A_318 {strides = array<i32>} : memref<3x16x256xf32, #tpu.memory_space<vmem>>, vector<16xf32>,
    %broadcast_in_dim3A_325 = arith.constant 224 : i32
    %broadcast_in_dim3A_326 = vector.broadcast %broadcast_in_dim3A_325 : i32 to vector<16xi32>
    %add3A_327 = arith.addi %broadcast_in_dim3A_326, %broadcast_in_dim3A_8 : vector<16xi32>
    %gather3A_328 = tpu.vector_load_idx %arg6[%add3A_327] : memref<256xf32, #tpu.memory_space<vmem>>[vector<16xi32>], vector<16xf32>,
    %mul3A_329 = arith.constant 16 : i32
    %mul3A_330 = vector.broadcast %mul3A_329 : i32 to vector<16xi32>
    %mul3A_331 = arith.muli %iota3A, %mul3A_330 : vector<16xi32>
    %add3A_332 = arith.addi %mul3A_331, %broadcast_in_dim3A_12 : vector<16xi32>
    %gather3A_333 = tpu.vector_load_idx %arg7[%add3A_332] : memref<256xf32, #tpu.memory_space<vmem>>[vector<16xi32>], vector<16xf32>,
    %mul3A_334 = arith.constant 16 : i32
    %mul3A_335 = vector.broadcast %mul3A_334 : i32 to vector<16xi32>
    %mul3A_336 = arith.muli %broadcast_in_dim3A_19, %mul3A_335 : vector<16xi32>
    %add3A_337 = arith.addi %mul3A_336, %iota3A : vector<16xi32>
    %gather3A_338 = tpu.vector_load_idx %arg8[%add3A_337] : memref<256xf32, #tpu.memory_space<vmem>>[vector<16xi32>], vector<16xf32>,
    %select_n3A_339 = arith.select %lt3A_6, %gather3A_333, %gather3A_338 : vector<16xi1>, vector<16xf32>
    %select_n3A_340 = arith.select %lt3A_3, %gather3A_328, %select_n3A_339 : vector<16xi1>, vector<16xf32>
    %swap3A_341 = arith.constant 0 : i32
    %swap3A_342 = arith.constant 0 : i32
    %swap3A_343 = arith.index_cast %swap3A_341 : i32 to index
    %swap3A_344 = arith.index_cast %swap3A_342 : i32 to index
    %swap3A_345 = arith.constant 224 : index
    %swap3A_346 = tpu.vector_load %arg9[%swap3A_343, %swap3A_344, %swap3A_345] {strides = array<i32>} : memref<3x16x256xf32, #tpu.memory_space<vmem>>, vector<16xf32>,
    tpu.vector_store %arg9[%swap3A_343, %swap3A_344, %swap3A_345], %select_n3A_340 {strides = array<i32>} : memref<3x16x256xf32, #tpu.memory_space<vmem>>, vector<16xf32>,
    %broadcast_in_dim3A_347 = arith.constant 240 : i32
    %broadcast_in_dim3A_348 = vector.broadcast %broadcast_in_dim3A_347 : i32 to vector<16xi32>
    %add3A_349 = arith.addi %broadcast_in_dim3A_348, %broadcast_in_dim3A_8 : vector<16xi32>
    %gather3A_350 = tpu.vector_load_idx %arg6[%add3A_349] : memref<256xf32, #tpu.memory_space<vmem>>[vector<16xi32>], vector<16xf32>,
    %mul3A_351 = arith.constant 16 : i32
    %mul3A_352 = vector.broadcast %mul3A_351 : i32 to vector<16xi32>
    %mul3A_353 = arith.muli %iota3A, %mul3A_352 : vector<16xi32>
    %add3A_354 = arith.addi %mul3A_353, %broadcast_in_dim3A_12 : vector<16xi32>
    %gather3A_355 = tpu.vector_load_idx %arg7[%add3A_354] : memref<256xf32, #tpu.memory_space<vmem>>[vector<16xi32>], vector<16xf32>,
    %mul3A_356 = arith.constant 16 : i32
    %mul3A_357 = vector.broadcast %mul3A_356 : i32 to vector<16xi32>
    %mul3A_358 = arith.muli %broadcast_in_dim3A_19, %mul3A_357 : vector<16xi32>
    %add3A_359 = arith.addi %mul3A_358, %iota3A : vector<16xi32>
    %gather3A_360 = tpu.vector_load_idx %arg8[%add3A_359] : memref<256xf32, #tpu.memory_space<vmem>>[vector<16xi32>], vector<16xf32>,
    %select_n3A_361 = arith.select %lt3A_6, %gather3A_355, %gather3A_360 : vector<16xi1>, vector<16xf32>
    %select_n3A_362 = arith.select %lt3A_3, %gather3A_350, %select_n3A_361 : vector<16xi1>, vector<16xf32>
    %swap3A_363 = arith.constant 0 : i32
    %swap3A_364 = arith.constant 0 : i32
    %swap3A_365 = arith.index_cast %swap3A_363 : i32 to index
    %swap3A_366 = arith.index_cast %swap3A_364 : i32 to index
    %swap3A_367 = arith.constant 240 : index
    %swap3A_368 = tpu.vector_load %arg9[%swap3A_365, %swap3A_366, %swap3A_367] {strides = array<i32>} : memref<3x16x256xf32, #tpu.memory_space<vmem>>, vector<16xf32>,
    tpu.vector_store %arg9[%swap3A_365, %swap3A_366, %swap3A_367], %select_n3A_362 {strides = array<i32>} : memref<3x16x256xf32, #tpu.memory_space<vmem>>, vector<16xf32>,
    %mul3A_369 = arith.constant 3 : i32
    %mul3A_370 = arith.muli %arg1, %mul3A_369 : i32
    %add3A_371 = arith.constant 1 : i32
    %add3A_372 = arith.addi %mul3A_370, %add3A_371 : i32
    %broadcast_in_dim3A_373 = vector.broadcast %add3A_372 : i32 to vector<16xi32>
    %lt3A_374 = arith.constant 16 : i32
    %lt3A_375 = vector.broadcast %lt3A_374 : i32 to vector<16xi32>
    %lt3A_376 = arith.cmpi slt, %broadcast_in_dim3A_373, %lt3A_375 : vector<16xi32>
    %lt3A_377 = arith.constant 32 : i32
    %lt3A_378 = vector.broadcast %lt3A_377 : i32 to vector<16xi32>
    %lt3A_379 = arith.cmpi slt, %broadcast_in_dim3A_373, %lt3A_378 : vector<16xi32>
    %min3A_380 = arith.constant 15 : i32
    %min3A_381 = arith.minsi %add3A_372, %min3A_380 : i32
    %broadcast_in_dim3A_382 = vector.broadcast %min3A_381 : i32 to vector<16xi32>
    %sub3A_383 = arith.constant 16 : i32
    %sub3A_384 = arith.subi %add3A_372, %sub3A_383 : i32
    %jit3A_385 = arith.constant 0 : i32
    %jit3A_386 = arith.constant 15 : i32
    %max3A_387 = arith.maxsi %jit3A_385, %sub3A_384 : i32
    %min3A_388 = arith.minsi %jit3A_386, %max3A_387 : i32
    %broadcast_in_dim3A_389 = vector.broadcast %min3A_388 : i32 to vector<16xi32>
    %sub3A_390 = arith.constant 32 : i32
    %sub3A_391 = arith.subi %add3A_372, %sub3A_390 : i32
    %jit3A_392 = arith.constant 0 : i32
    %jit3A_393 = arith.constant 15 : i32
    %max3A_394 = arith.maxsi %jit3A_392, %sub3A_391 : i32
    %min3A_395 = arith.minsi %jit3A_393, %max3A_394 : i32
    %broadcast_in_dim3A_396 = vector.broadcast %min3A_395 : i32 to vector<16xi32>
    %broadcast_in_dim3A_397 = arith.constant 0 : i32
    %broadcast_in_dim3A_398 = vector.broadcast %broadcast_in_dim3A_397 : i32 to vector<16xi32>
    %add3A_399 = arith.addi %broadcast_in_dim3A_398, %broadcast_in_dim3A_382 : vector<16xi32>
    %gather3A_400 = tpu.vector_load_idx %arg6[%add3A_399] : memref<256xf32, #tpu.memory_space<vmem>>[vector<16xi32>], vector<16xf32>,
    %mul3A_401 = arith.constant 16 : i32
    %mul3A_402 = vector.broadcast %mul3A_401 : i32 to vector<16xi32>
    %mul3A_403 = arith.muli %iota3A, %mul3A_402 : vector<16xi32>
    %add3A_404 = arith.addi %mul3A_403, %broadcast_in_dim3A_389 : vector<16xi32>
    %gather3A_405 = tpu.vector_load_idx %arg7[%add3A_404] : memref<256xf32, #tpu.memory_space<vmem>>[vector<16xi32>], vector<16xf32>,
    %mul3A_406 = arith.constant 16 : i32
    %mul3A_407 = vector.broadcast %mul3A_406 : i32 to vector<16xi32>
    %mul3A_408 = arith.muli %broadcast_in_dim3A_396, %mul3A_407 : vector<16xi32>
    %add3A_409 = arith.addi %mul3A_408, %iota3A : vector<16xi32>
    %gather3A_410 = tpu.vector_load_idx %arg8[%add3A_409] : memref<256xf32, #tpu.memory_space<vmem>>[vector<16xi32>], vector<16xf32>,
    %select_n3A_411 = arith.select %lt3A_379, %gather3A_405, %gather3A_410 : vector<16xi1>, vector<16xf32>
    %select_n3A_412 = arith.select %lt3A_376, %gather3A_400, %select_n3A_411 : vector<16xi1>, vector<16xf32>
    %swap3A_413 = arith.constant 1 : i32
    %swap3A_414 = arith.constant 0 : i32
    %swap3A_415 = arith.index_cast %swap3A_413 : i32 to index
    %swap3A_416 = arith.index_cast %swap3A_414 : i32 to index
    %swap3A_417 = arith.constant 0 : index
    %swap3A_418 = tpu.vector_load %arg9[%swap3A_415, %swap3A_416, %swap3A_417] {strides = array<i32>} : memref<3x16x256xf32, #tpu.memory_space<vmem>>, vector<16xf32>,
    tpu.vector_store %arg9[%swap3A_415, %swap3A_416, %swap3A_417], %select_n3A_412 {strides = array<i32>} : memref<3x16x256xf32, #tpu.memory_space<vmem>>, vector<16xf32>,
    %broadcast_in_dim3A_419 = arith.constant 16 : i32
    %broadcast_in_dim3A_420 = vector.broadcast %broadcast_in_dim3A_419 : i32 to vector<16xi32>
    %add3A_421 = arith.addi %broadcast_in_dim3A_420, %broadcast_in_dim3A_382 : vector<16xi32>
    %gather3A_422 = tpu.vector_load_idx %arg6[%add3A_421] : memref<256xf32, #tpu.memory_space<vmem>>[vector<16xi32>], vector<16xf32>,
    %mul3A_423 = arith.constant 16 : i32
    %mul3A_424 = vector.broadcast %mul3A_423 : i32 to vector<16xi32>
    %mul3A_425 = arith.muli %iota3A, %mul3A_424 : vector<16xi32>
    %add3A_426 = arith.addi %mul3A_425, %broadcast_in_dim3A_389 : vector<16xi32>
    %gather3A_427 = tpu.vector_load_idx %arg7[%add3A_426] : memref<256xf32, #tpu.memory_space<vmem>>[vector<16xi32>], vector<16xf32>,
    %mul3A_428 = arith.constant 16 : i32
    %mul3A_429 = vector.broadcast %mul3A_428 : i32 to vector<16xi32>
    %mul3A_430 = arith.muli %broadcast_in_dim3A_396, %mul3A_429 : vector<16xi32>
    %add3A_431 = arith.addi %mul3A_430, %iota3A : vector<16xi32>
    %gather3A_432 = tpu.vector_load_idx %arg8[%add3A_431] : memref<256xf32, #tpu.memory_space<vmem>>[vector<16xi32>], vector<16xf32>,
    %select_n3A_433 = arith.select %lt3A_379, %gather3A_427, %gather3A_432 : vector<16xi1>, vector<16xf32>
    %select_n3A_434 = arith.select %lt3A_376, %gather3A_422, %select_n3A_433 : vector<16xi1>, vector<16xf32>
    %swap3A_435 = arith.constant 1 : i32
    %swap3A_436 = arith.constant 0 : i32
    %swap3A_437 = arith.index_cast %swap3A_435 : i32 to index
    %swap3A_438 = arith.index_cast %swap3A_436 : i32 to index
    %swap3A_439 = arith.constant 16 : index
    %swap3A_440 = tpu.vector_load %arg9[%swap3A_437, %swap3A_438, %swap3A_439] {strides = array<i32>} : memref<3x16x256xf32, #tpu.memory_space<vmem>>, vector<16xf32>,
    tpu.vector_store %arg9[%swap3A_437, %swap3A_438, %swap3A_439], %select_n3A_434 {strides = array<i32>} : memref<3x16x256xf32, #tpu.memory_space<vmem>>, vector<16xf32>,
    %broadcast_in_dim3A_441 = arith.constant 32 : i32
    %broadcast_in_dim3A_442 = vector.broadcast %broadcast_in_dim3A_441 : i32 to vector<16xi32>
    %add3A_443 = arith.addi %broadcast_in_dim3A_442, %broadcast_in_dim3A_382 : vector<16xi32>
    %gather3A_444 = tpu.vector_load_idx %arg6[%add3A_443] : memref<256xf32, #tpu.memory_space<vmem>>[vector<16xi32>], vector<16xf32>,
    %mul3A_445 = arith.constant 16 : i32
    %mul3A_446 = vector.broadcast %mul3A_445 : i32 to vector<16xi32>
    %mul3A_447 = arith.muli %iota3A, %mul3A_446 : vector<16xi32>
    %add3A_448 = arith.addi %mul3A_447, %broadcast_in_dim3A_389 : vector<16xi32>
    %gather3A_449 = tpu.vector_load_idx %arg7[%add3A_448] : memref<256xf32, #tpu.memory_space<vmem>>[vector<16xi32>], vector<16xf32>,
    %mul3A_450 = arith.constant 16 : i32
    %mul3A_451 = vector.broadcast %mul3A_450 : i32 to vector<16xi32>
    %mul3A_452 = arith.muli %broadcast_in_dim3A_396, %mul3A_451 : vector<16xi32>
    %add3A_453 = arith.addi %mul3A_452, %iota3A : vector<16xi32>
    %gather3A_454 = tpu.vector_load_idx %arg8[%add3A_453] : memref<256xf32, #tpu.memory_space<vmem>>[vector<16xi32>], vector<16xf32>,
    %select_n3A_455 = arith.select %lt3A_379, %gather3A_449, %gather3A_454 : vector<16xi1>, vector<16xf32>
    %select_n3A_456 = arith.select %lt3A_376, %gather3A_444, %select_n3A_455 : vector<16xi1>, vector<16xf32>
    %swap3A_457 = arith.constant 1 : i32
    %swap3A_458 = arith.constant 0 : i32
    %swap3A_459 = arith.index_cast %swap3A_457 : i32 to index
    %swap3A_460 = arith.index_cast %swap3A_458 : i32 to index
    %swap3A_461 = arith.constant 32 : index
    %swap3A_462 = tpu.vector_load %arg9[%swap3A_459, %swap3A_460, %swap3A_461] {strides = array<i32>} : memref<3x16x256xf32, #tpu.memory_space<vmem>>, vector<16xf32>,
    tpu.vector_store %arg9[%swap3A_459, %swap3A_460, %swap3A_461], %select_n3A_456 {strides = array<i32>} : memref<3x16x256xf32, #tpu.memory_space<vmem>>, vector<16xf32>,
    %broadcast_in_dim3A_463 = arith.constant 48 : i32
    %broadcast_in_dim3A_464 = vector.broadcast %broadcast_in_dim3A_463 : i32 to vector<16xi32>
    %add3A_465 = arith.addi %broadcast_in_dim3A_464, %broadcast_in_dim3A_382 : vector<16xi32>
    %gather3A_466 = tpu.vector_load_idx %arg6[%add3A_465] : memref<256xf32, #tpu.memory_space<vmem>>[vector<16xi32>], vector<16xf32>,
    %mul3A_467 = arith.constant 16 : i32
    %mul3A_468 = vector.broadcast %mul3A_467 : i32 to vector<16xi32>
    %mul3A_469 = arith.muli %iota3A, %mul3A_468 : vector<16xi32>
    %add3A_470 = arith.addi %mul3A_469, %broadcast_in_dim3A_389 : vector<16xi32>
    %gather3A_471 = tpu.vector_load_idx %arg7[%add3A_470] : memref<256xf32, #tpu.memory_space<vmem>>[vector<16xi32>], vector<16xf32>,
    %mul3A_472 = arith.constant 16 : i32
    %mul3A_473 = vector.broadcast %mul3A_472 : i32 to vector<16xi32>
    %mul3A_474 = arith.muli %broadcast_in_dim3A_396, %mul3A_473 : vector<16xi32>
    %add3A_475 = arith.addi %mul3A_474, %iota3A : vector<16xi32>
    %gather3A_476 = tpu.vector_load_idx %arg8[%add3A_475] : memref<256xf32, #tpu.memory_space<vmem>>[vector<16xi32>], vector<16xf32>,
    %select_n3A_477 = arith.select %lt3A_379, %gather3A_471, %gather3A_476 : vector<16xi1>, vector<16xf32>
    %select_n3A_478 = arith.select %lt3A_376, %gather3A_466, %select_n3A_477 : vector<16xi1>, vector<16xf32>
    %swap3A_479 = arith.constant 1 : i32
    %swap3A_480 = arith.constant 0 : i32
    %swap3A_481 = arith.index_cast %swap3A_479 : i32 to index
    %swap3A_482 = arith.index_cast %swap3A_480 : i32 to index
    %swap3A_483 = arith.constant 48 : index
    %swap3A_484 = tpu.vector_load %arg9[%swap3A_481, %swap3A_482, %swap3A_483] {strides = array<i32>} : memref<3x16x256xf32, #tpu.memory_space<vmem>>, vector<16xf32>,
    tpu.vector_store %arg9[%swap3A_481, %swap3A_482, %swap3A_483], %select_n3A_478 {strides = array<i32>} : memref<3x16x256xf32, #tpu.memory_space<vmem>>, vector<16xf32>,
    %broadcast_in_dim3A_485 = arith.constant 64 : i32
    %broadcast_in_dim3A_486 = vector.broadcast %broadcast_in_dim3A_485 : i32 to vector<16xi32>
    %add3A_487 = arith.addi %broadcast_in_dim3A_486, %broadcast_in_dim3A_382 : vector<16xi32>
    %gather3A_488 = tpu.vector_load_idx %arg6[%add3A_487] : memref<256xf32, #tpu.memory_space<vmem>>[vector<16xi32>], vector<16xf32>,
    %mul3A_489 = arith.constant 16 : i32
    %mul3A_490 = vector.broadcast %mul3A_489 : i32 to vector<16xi32>
    %mul3A_491 = arith.muli %iota3A, %mul3A_490 : vector<16xi32>
    %add3A_492 = arith.addi %mul3A_491, %broadcast_in_dim3A_389 : vector<16xi32>
    %gather3A_493 = tpu.vector_load_idx %arg7[%add3A_492] : memref<256xf32, #tpu.memory_space<vmem>>[vector<16xi32>], vector<16xf32>,
    %mul3A_494 = arith.constant 16 : i32
    %mul3A_495 = vector.broadcast %mul3A_494 : i32 to vector<16xi32>
    %mul3A_496 = arith.muli %broadcast_in_dim3A_396, %mul3A_495 : vector<16xi32>
    %add3A_497 = arith.addi %mul3A_496, %iota3A : vector<16xi32>
    %gather3A_498 = tpu.vector_load_idx %arg8[%add3A_497] : memref<256xf32, #tpu.memory_space<vmem>>[vector<16xi32>], vector<16xf32>,
    %select_n3A_499 = arith.select %lt3A_379, %gather3A_493, %gather3A_498 : vector<16xi1>, vector<16xf32>
    %select_n3A_500 = arith.select %lt3A_376, %gather3A_488, %select_n3A_499 : vector<16xi1>, vector<16xf32>
    %swap3A_501 = arith.constant 1 : i32
    %swap3A_502 = arith.constant 0 : i32
    %swap3A_503 = arith.index_cast %swap3A_501 : i32 to index
    %swap3A_504 = arith.index_cast %swap3A_502 : i32 to index
    %swap3A_505 = arith.constant 64 : index
    %swap3A_506 = tpu.vector_load %arg9[%swap3A_503, %swap3A_504, %swap3A_505] {strides = array<i32>} : memref<3x16x256xf32, #tpu.memory_space<vmem>>, vector<16xf32>,
    tpu.vector_store %arg9[%swap3A_503, %swap3A_504, %swap3A_505], %select_n3A_500 {strides = array<i32>} : memref<3x16x256xf32, #tpu.memory_space<vmem>>, vector<16xf32>,
    %broadcast_in_dim3A_507 = arith.constant 80 : i32
    %broadcast_in_dim3A_508 = vector.broadcast %broadcast_in_dim3A_507 : i32 to vector<16xi32>
    %add3A_509 = arith.addi %broadcast_in_dim3A_508, %broadcast_in_dim3A_382 : vector<16xi32>
    %gather3A_510 = tpu.vector_load_idx %arg6[%add3A_509] : memref<256xf32, #tpu.memory_space<vmem>>[vector<16xi32>], vector<16xf32>,
    %mul3A_511 = arith.constant 16 : i32
    %mul3A_512 = vector.broadcast %mul3A_511 : i32 to vector<16xi32>
    %mul3A_513 = arith.muli %iota3A, %mul3A_512 : vector<16xi32>
    %add3A_514 = arith.addi %mul3A_513, %broadcast_in_dim3A_389 : vector<16xi32>
    %gather3A_515 = tpu.vector_load_idx %arg7[%add3A_514] : memref<256xf32, #tpu.memory_space<vmem>>[vector<16xi32>], vector<16xf32>,
    %mul3A_516 = arith.constant 16 : i32
    %mul3A_517 = vector.broadcast %mul3A_516 : i32 to vector<16xi32>
    %mul3A_518 = arith.muli %broadcast_in_dim3A_396, %mul3A_517 : vector<16xi32>
    %add3A_519 = arith.addi %mul3A_518, %iota3A : vector<16xi32>
    %gather3A_520 = tpu.vector_load_idx %arg8[%add3A_519] : memref<256xf32, #tpu.memory_space<vmem>>[vector<16xi32>], vector<16xf32>,
    %select_n3A_521 = arith.select %lt3A_379, %gather3A_515, %gather3A_520 : vector<16xi1>, vector<16xf32>
    %select_n3A_522 = arith.select %lt3A_376, %gather3A_510, %select_n3A_521 : vector<16xi1>, vector<16xf32>
    %swap3A_523 = arith.constant 1 : i32
    %swap3A_524 = arith.constant 0 : i32
    %swap3A_525 = arith.index_cast %swap3A_523 : i32 to index
    %swap3A_526 = arith.index_cast %swap3A_524 : i32 to index
    %swap3A_527 = arith.constant 80 : index
    %swap3A_528 = tpu.vector_load %arg9[%swap3A_525, %swap3A_526, %swap3A_527] {strides = array<i32>} : memref<3x16x256xf32, #tpu.memory_space<vmem>>, vector<16xf32>,
    tpu.vector_store %arg9[%swap3A_525, %swap3A_526, %swap3A_527], %select_n3A_522 {strides = array<i32>} : memref<3x16x256xf32, #tpu.memory_space<vmem>>, vector<16xf32>,
    %broadcast_in_dim3A_529 = arith.constant 96 : i32
    %broadcast_in_dim3A_530 = vector.broadcast %broadcast_in_dim3A_529 : i32 to vector<16xi32>
    %add3A_531 = arith.addi %broadcast_in_dim3A_530, %broadcast_in_dim3A_382 : vector<16xi32>
    %gather3A_532 = tpu.vector_load_idx %arg6[%add3A_531] : memref<256xf32, #tpu.memory_space<vmem>>[vector<16xi32>], vector<16xf32>,
    %mul3A_533 = arith.constant 16 : i32
    %mul3A_534 = vector.broadcast %mul3A_533 : i32 to vector<16xi32>
    %mul3A_535 = arith.muli %iota3A, %mul3A_534 : vector<16xi32>
    %add3A_536 = arith.addi %mul3A_535, %broadcast_in_dim3A_389 : vector<16xi32>
    %gather3A_537 = tpu.vector_load_idx %arg7[%add3A_536] : memref<256xf32, #tpu.memory_space<vmem>>[vector<16xi32>], vector<16xf32>,
    %mul3A_538 = arith.constant 16 : i32
    %mul3A_539 = vector.broadcast %mul3A_538 : i32 to vector<16xi32>
    %mul3A_540 = arith.muli %broadcast_in_dim3A_396, %mul3A_539 : vector<16xi32>
    %add3A_541 = arith.addi %mul3A_540, %iota3A : vector<16xi32>
    %gather3A_542 = tpu.vector_load_idx %arg8[%add3A_541] : memref<256xf32, #tpu.memory_space<vmem>>[vector<16xi32>], vector<16xf32>,
    %select_n3A_543 = arith.select %lt3A_379, %gather3A_537, %gather3A_542 : vector<16xi1>, vector<16xf32>
    %select_n3A_544 = arith.select %lt3A_376, %gather3A_532, %select_n3A_543 : vector<16xi1>, vector<16xf32>
    %swap3A_545 = arith.constant 1 : i32
    %swap3A_546 = arith.constant 0 : i32
    %swap3A_547 = arith.index_cast %swap3A_545 : i32 to index
    %swap3A_548 = arith.index_cast %swap3A_546 : i32 to index
    %swap3A_549 = arith.constant 96 : index
    %swap3A_550 = tpu.vector_load %arg9[%swap3A_547, %swap3A_548, %swap3A_549] {strides = array<i32>} : memref<3x16x256xf32, #tpu.memory_space<vmem>>, vector<16xf32>,
    tpu.vector_store %arg9[%swap3A_547, %swap3A_548, %swap3A_549], %select_n3A_544 {strides = array<i32>} : memref<3x16x256xf32, #tpu.memory_space<vmem>>, vector<16xf32>,
    %broadcast_in_dim3A_551 = arith.constant 112 : i32
    %broadcast_in_dim3A_552 = vector.broadcast %broadcast_in_dim3A_551 : i32 to vector<16xi32>
    %add3A_553 = arith.addi %broadcast_in_dim3A_552, %broadcast_in_dim3A_382 : vector<16xi32>
    %gather3A_554 = tpu.vector_load_idx %arg6[%add3A_553] : memref<256xf32, #tpu.memory_space<vmem>>[vector<16xi32>], vector<16xf32>,
    %mul3A_555 = arith.constant 16 : i32
    %mul3A_556 = vector.broadcast %mul3A_555 : i32 to vector<16xi32>
    %mul3A_557 = arith.muli %iota3A, %mul3A_556 : vector<16xi32>
    %add3A_558 = arith.addi %mul3A_557, %broadcast_in_dim3A_389 : vector<16xi32>
    %gather3A_559 = tpu.vector_load_idx %arg7[%add3A_558] : memref<256xf32, #tpu.memory_space<vmem>>[vector<16xi32>], vector<16xf32>,
    %mul3A_560 = arith.constant 16 : i32
    %mul3A_561 = vector.broadcast %mul3A_560 : i32 to vector<16xi32>
    %mul3A_562 = arith.muli %broadcast_in_dim3A_396, %mul3A_561 : vector<16xi32>
    %add3A_563 = arith.addi %mul3A_562, %iota3A : vector<16xi32>
    %gather3A_564 = tpu.vector_load_idx %arg8[%add3A_563] : memref<256xf32, #tpu.memory_space<vmem>>[vector<16xi32>], vector<16xf32>,
    %select_n3A_565 = arith.select %lt3A_379, %gather3A_559, %gather3A_564 : vector<16xi1>, vector<16xf32>
    %select_n3A_566 = arith.select %lt3A_376, %gather3A_554, %select_n3A_565 : vector<16xi1>, vector<16xf32>
    %swap3A_567 = arith.constant 1 : i32
    %swap3A_568 = arith.constant 0 : i32
    %swap3A_569 = arith.index_cast %swap3A_567 : i32 to index
    %swap3A_570 = arith.index_cast %swap3A_568 : i32 to index
    %swap3A_571 = arith.constant 112 : index
    %swap3A_572 = tpu.vector_load %arg9[%swap3A_569, %swap3A_570, %swap3A_571] {strides = array<i32>} : memref<3x16x256xf32, #tpu.memory_space<vmem>>, vector<16xf32>,
    tpu.vector_store %arg9[%swap3A_569, %swap3A_570, %swap3A_571], %select_n3A_566 {strides = array<i32>} : memref<3x16x256xf32, #tpu.memory_space<vmem>>, vector<16xf32>,
    %broadcast_in_dim3A_573 = arith.constant 128 : i32
    %broadcast_in_dim3A_574 = vector.broadcast %broadcast_in_dim3A_573 : i32 to vector<16xi32>
    %add3A_575 = arith.addi %broadcast_in_dim3A_574, %broadcast_in_dim3A_382 : vector<16xi32>
    %gather3A_576 = tpu.vector_load_idx %arg6[%add3A_575] : memref<256xf32, #tpu.memory_space<vmem>>[vector<16xi32>], vector<16xf32>,
    %mul3A_577 = arith.constant 16 : i32
    %mul3A_578 = vector.broadcast %mul3A_577 : i32 to vector<16xi32>
    %mul3A_579 = arith.muli %iota3A, %mul3A_578 : vector<16xi32>
    %add3A_580 = arith.addi %mul3A_579, %broadcast_in_dim3A_389 : vector<16xi32>
    %gather3A_581 = tpu.vector_load_idx %arg7[%add3A_580] : memref<256xf32, #tpu.memory_space<vmem>>[vector<16xi32>], vector<16xf32>,
    %mul3A_582 = arith.constant 16 : i32
    %mul3A_583 = vector.broadcast %mul3A_582 : i32 to vector<16xi32>
    %mul3A_584 = arith.muli %broadcast_in_dim3A_396, %mul3A_583 : vector<16xi32>
    %add3A_585 = arith.addi %mul3A_584, %iota3A : vector<16xi32>
    %gather3A_586 = tpu.vector_load_idx %arg8[%add3A_585] : memref<256xf32, #tpu.memory_space<vmem>>[vector<16xi32>], vector<16xf32>,
    %select_n3A_587 = arith.select %lt3A_379, %gather3A_581, %gather3A_586 : vector<16xi1>, vector<16xf32>
    %select_n3A_588 = arith.select %lt3A_376, %gather3A_576, %select_n3A_587 : vector<16xi1>, vector<16xf32>
    %swap3A_589 = arith.constant 1 : i32
    %swap3A_590 = arith.constant 0 : i32
    %swap3A_591 = arith.index_cast %swap3A_589 : i32 to index
    %swap3A_592 = arith.index_cast %swap3A_590 : i32 to index
    %swap3A_593 = arith.constant 128 : index
    %swap3A_594 = tpu.vector_load %arg9[%swap3A_591, %swap3A_592, %swap3A_593] {strides = array<i32>} : memref<3x16x256xf32, #tpu.memory_space<vmem>>, vector<16xf32>,
    tpu.vector_store %arg9[%swap3A_591, %swap3A_592, %swap3A_593], %select_n3A_588 {strides = array<i32>} : memref<3x16x256xf32, #tpu.memory_space<vmem>>, vector<16xf32>,
    %broadcast_in_dim3A_595 = arith.constant 144 : i32
    %broadcast_in_dim3A_596 = vector.broadcast %broadcast_in_dim3A_595 : i32 to vector<16xi32>
    %add3A_597 = arith.addi %broadcast_in_dim3A_596, %broadcast_in_dim3A_382 : vector<16xi32>
    %gather3A_598 = tpu.vector_load_idx %arg6[%add3A_597] : memref<256xf32, #tpu.memory_space<vmem>>[vector<16xi32>], vector<16xf32>,
    %mul3A_599 = arith.constant 16 : i32
    %mul3A_600 = vector.broadcast %mul3A_599 : i32 to vector<16xi32>
    %mul3A_601 = arith.muli %iota3A, %mul3A_600 : vector<16xi32>
    %add3A_602 = arith.addi %mul3A_601, %broadcast_in_dim3A_389 : vector<16xi32>
    %gather3A_603 = tpu.vector_load_idx %arg7[%add3A_602] : memref<256xf32, #tpu.memory_space<vmem>>[vector<16xi32>], vector<16xf32>,
    %mul3A_604 = arith.constant 16 : i32
    %mul3A_605 = vector.broadcast %mul3A_604 : i32 to vector<16xi32>
    %mul3A_606 = arith.muli %broadcast_in_dim3A_396, %mul3A_605 : vector<16xi32>
    %add3A_607 = arith.addi %mul3A_606, %iota3A : vector<16xi32>
    %gather3A_608 = tpu.vector_load_idx %arg8[%add3A_607] : memref<256xf32, #tpu.memory_space<vmem>>[vector<16xi32>], vector<16xf32>,
    %select_n3A_609 = arith.select %lt3A_379, %gather3A_603, %gather3A_608 : vector<16xi1>, vector<16xf32>
    %select_n3A_610 = arith.select %lt3A_376, %gather3A_598, %select_n3A_609 : vector<16xi1>, vector<16xf32>
    %swap3A_611 = arith.constant 1 : i32
    %swap3A_612 = arith.constant 0 : i32
    %swap3A_613 = arith.index_cast %swap3A_611 : i32 to index
    %swap3A_614 = arith.index_cast %swap3A_612 : i32 to index
    %swap3A_615 = arith.constant 144 : index
    %swap3A_616 = tpu.vector_load %arg9[%swap3A_613, %swap3A_614, %swap3A_615] {strides = array<i32>} : memref<3x16x256xf32, #tpu.memory_space<vmem>>, vector<16xf32>,
    tpu.vector_store %arg9[%swap3A_613, %swap3A_614, %swap3A_615], %select_n3A_610 {strides = array<i32>} : memref<3x16x256xf32, #tpu.memory_space<vmem>>, vector<16xf32>,
    %broadcast_in_dim3A_617 = arith.constant 160 : i32
    %broadcast_in_dim3A_618 = vector.broadcast %broadcast_in_dim3A_617 : i32 to vector<16xi32>
    %add3A_619 = arith.addi %broadcast_in_dim3A_618, %broadcast_in_dim3A_382 : vector<16xi32>
    %gather3A_620 = tpu.vector_load_idx %arg6[%add3A_619] : memref<256xf32, #tpu.memory_space<vmem>>[vector<16xi32>], vector<16xf32>,
    %mul3A_621 = arith.constant 16 : i32
    %mul3A_622 = vector.broadcast %mul3A_621 : i32 to vector<16xi32>
    %mul3A_623 = arith.muli %iota3A, %mul3A_622 : vector<16xi32>
    %add3A_624 = arith.addi %mul3A_623, %broadcast_in_dim3A_389 : vector<16xi32>
    %gather3A_625 = tpu.vector_load_idx %arg7[%add3A_624] : memref<256xf32, #tpu.memory_space<vmem>>[vector<16xi32>], vector<16xf32>,
    %mul3A_626 = arith.constant 16 : i32
    %mul3A_627 = vector.broadcast %mul3A_626 : i32 to vector<16xi32>
    %mul3A_628 = arith.muli %broadcast_in_dim3A_396, %mul3A_627 : vector<16xi32>
    %add3A_629 = arith.addi %mul3A_628, %iota3A : vector<16xi32>
    %gather3A_630 = tpu.vector_load_idx %arg8[%add3A_629] : memref<256xf32, #tpu.memory_space<vmem>>[vector<16xi32>], vector<16xf32>,
    %select_n3A_631 = arith.select %lt3A_379, %gather3A_625, %gather3A_630 : vector<16xi1>, vector<16xf32>
    %select_n3A_632 = arith.select %lt3A_376, %gather3A_620, %select_n3A_631 : vector<16xi1>, vector<16xf32>
    %swap3A_633 = arith.constant 1 : i32
    %swap3A_634 = arith.constant 0 : i32
    %swap3A_635 = arith.index_cast %swap3A_633 : i32 to index
    %swap3A_636 = arith.index_cast %swap3A_634 : i32 to index
    %swap3A_637 = arith.constant 160 : index
    %swap3A_638 = tpu.vector_load %arg9[%swap3A_635, %swap3A_636, %swap3A_637] {strides = array<i32>} : memref<3x16x256xf32, #tpu.memory_space<vmem>>, vector<16xf32>,
    tpu.vector_store %arg9[%swap3A_635, %swap3A_636, %swap3A_637], %select_n3A_632 {strides = array<i32>} : memref<3x16x256xf32, #tpu.memory_space<vmem>>, vector<16xf32>,
    %broadcast_in_dim3A_639 = arith.constant 176 : i32
    %broadcast_in_dim3A_640 = vector.broadcast %broadcast_in_dim3A_639 : i32 to vector<16xi32>
    %add3A_641 = arith.addi %broadcast_in_dim3A_640, %broadcast_in_dim3A_382 : vector<16xi32>
    %gather3A_642 = tpu.vector_load_idx %arg6[%add3A_641] : memref<256xf32, #tpu.memory_space<vmem>>[vector<16xi32>], vector<16xf32>,
    %mul3A_643 = arith.constant 16 : i32
    %mul3A_644 = vector.broadcast %mul3A_643 : i32 to vector<16xi32>
    %mul3A_645 = arith.muli %iota3A, %mul3A_644 : vector<16xi32>
    %add3A_646 = arith.addi %mul3A_645, %broadcast_in_dim3A_389 : vector<16xi32>
    %gather3A_647 = tpu.vector_load_idx %arg7[%add3A_646] : memref<256xf32, #tpu.memory_space<vmem>>[vector<16xi32>], vector<16xf32>,
    %mul3A_648 = arith.constant 16 : i32
    %mul3A_649 = vector.broadcast %mul3A_648 : i32 to vector<16xi32>
    %mul3A_650 = arith.muli %broadcast_in_dim3A_396, %mul3A_649 : vector<16xi32>
    %add3A_651 = arith.addi %mul3A_650, %iota3A : vector<16xi32>
    %gather3A_652 = tpu.vector_load_idx %arg8[%add3A_651] : memref<256xf32, #tpu.memory_space<vmem>>[vector<16xi32>], vector<16xf32>,
    %select_n3A_653 = arith.select %lt3A_379, %gather3A_647, %gather3A_652 : vector<16xi1>, vector<16xf32>
    %select_n3A_654 = arith.select %lt3A_376, %gather3A_642, %select_n3A_653 : vector<16xi1>, vector<16xf32>
    %swap3A_655 = arith.constant 1 : i32
    %swap3A_656 = arith.constant 0 : i32
    %swap3A_657 = arith.index_cast %swap3A_655 : i32 to index
    %swap3A_658 = arith.index_cast %swap3A_656 : i32 to index
    %swap3A_659 = arith.constant 176 : index
    %swap3A_660 = tpu.vector_load %arg9[%swap3A_657, %swap3A_658, %swap3A_659] {strides = array<i32>} : memref<3x16x256xf32, #tpu.memory_space<vmem>>, vector<16xf32>,
    tpu.vector_store %arg9[%swap3A_657, %swap3A_658, %swap3A_659], %select_n3A_654 {strides = array<i32>} : memref<3x16x256xf32, #tpu.memory_space<vmem>>, vector<16xf32>,
    %broadcast_in_dim3A_661 = arith.constant 192 : i32
    %broadcast_in_dim3A_662 = vector.broadcast %broadcast_in_dim3A_661 : i32 to vector<16xi32>
    %add3A_663 = arith.addi %broadcast_in_dim3A_662, %broadcast_in_dim3A_382 : vector<16xi32>
    %gather3A_664 = tpu.vector_load_idx %arg6[%add3A_663] : memref<256xf32, #tpu.memory_space<vmem>>[vector<16xi32>], vector<16xf32>,
    %mul3A_665 = arith.constant 16 : i32
    %mul3A_666 = vector.broadcast %mul3A_665 : i32 to vector<16xi32>
    %mul3A_667 = arith.muli %iota3A, %mul3A_666 : vector<16xi32>
    %add3A_668 = arith.addi %mul3A_667, %broadcast_in_dim3A_389 : vector<16xi32>
    %gather3A_669 = tpu.vector_load_idx %arg7[%add3A_668] : memref<256xf32, #tpu.memory_space<vmem>>[vector<16xi32>], vector<16xf32>,
    %mul3A_670 = arith.constant 16 : i32
    %mul3A_671 = vector.broadcast %mul3A_670 : i32 to vector<16xi32>
    %mul3A_672 = arith.muli %broadcast_in_dim3A_396, %mul3A_671 : vector<16xi32>
    %add3A_673 = arith.addi %mul3A_672, %iota3A : vector<16xi32>
    %gather3A_674 = tpu.vector_load_idx %arg8[%add3A_673] : memref<256xf32, #tpu.memory_space<vmem>>[vector<16xi32>], vector<16xf32>,
    %select_n3A_675 = arith.select %lt3A_379, %gather3A_669, %gather3A_674 : vector<16xi1>, vector<16xf32>
    %select_n3A_676 = arith.select %lt3A_376, %gather3A_664, %select_n3A_675 : vector<16xi1>, vector<16xf32>
    %swap3A_677 = arith.constant 1 : i32
    %swap3A_678 = arith.constant 0 : i32
    %swap3A_679 = arith.index_cast %swap3A_677 : i32 to index
    %swap3A_680 = arith.index_cast %swap3A_678 : i32 to index
    %swap3A_681 = arith.constant 192 : index
    %swap3A_682 = tpu.vector_load %arg9[%swap3A_679, %swap3A_680, %swap3A_681] {strides = array<i32>} : memref<3x16x256xf32, #tpu.memory_space<vmem>>, vector<16xf32>,
    tpu.vector_store %arg9[%swap3A_679, %swap3A_680, %swap3A_681], %select_n3A_676 {strides = array<i32>} : memref<3x16x256xf32, #tpu.memory_space<vmem>>, vector<16xf32>,
    %broadcast_in_dim3A_683 = arith.constant 208 : i32
    %broadcast_in_dim3A_684 = vector.broadcast %broadcast_in_dim3A_683 : i32 to vector<16xi32>
    %add3A_685 = arith.addi %broadcast_in_dim3A_684, %broadcast_in_dim3A_382 : vector<16xi32>
    %gather3A_686 = tpu.vector_load_idx %arg6[%add3A_685] : memref<256xf32, #tpu.memory_space<vmem>>[vector<16xi32>], vector<16xf32>,
    %mul3A_687 = arith.constant 16 : i32
    %mul3A_688 = vector.broadcast %mul3A_687 : i32 to vector<16xi32>
    %mul3A_689 = arith.muli %iota3A, %mul3A_688 : vector<16xi32>
    %add3A_690 = arith.addi %mul3A_689, %broadcast_in_dim3A_389 : vector<16xi32>
    %gather3A_691 = tpu.vector_load_idx %arg7[%add3A_690] : memref<256xf32, #tpu.memory_space<vmem>>[vector<16xi32>], vector<16xf32>,
    %mul3A_692 = arith.constant 16 : i32
    %mul3A_693 = vector.broadcast %mul3A_692 : i32 to vector<16xi32>
    %mul3A_694 = arith.muli %broadcast_in_dim3A_396, %mul3A_693 : vector<16xi32>
    %add3A_695 = arith.addi %mul3A_694, %iota3A : vector<16xi32>
    %gather3A_696 = tpu.vector_load_idx %arg8[%add3A_695] : memref<256xf32, #tpu.memory_space<vmem>>[vector<16xi32>], vector<16xf32>,
    %select_n3A_697 = arith.select %lt3A_379, %gather3A_691, %gather3A_696 : vector<16xi1>, vector<16xf32>
    %select_n3A_698 = arith.select %lt3A_376, %gather3A_686, %select_n3A_697 : vector<16xi1>, vector<16xf32>
    %swap3A_699 = arith.constant 1 : i32
    %swap3A_700 = arith.constant 0 : i32
    %swap3A_701 = arith.index_cast %swap3A_699 : i32 to index
    %swap3A_702 = arith.index_cast %swap3A_700 : i32 to index
    %swap3A_703 = arith.constant 208 : index
    %swap3A_704 = tpu.vector_load %arg9[%swap3A_701, %swap3A_702, %swap3A_703] {strides = array<i32>} : memref<3x16x256xf32, #tpu.memory_space<vmem>>, vector<16xf32>,
    tpu.vector_store %arg9[%swap3A_701, %swap3A_702, %swap3A_703], %select_n3A_698 {strides = array<i32>} : memref<3x16x256xf32, #tpu.memory_space<vmem>>, vector<16xf32>,
    %broadcast_in_dim3A_705 = arith.constant 224 : i32
    %broadcast_in_dim3A_706 = vector.broadcast %broadcast_in_dim3A_705 : i32 to vector<16xi32>
    %add3A_707 = arith.addi %broadcast_in_dim3A_706, %broadcast_in_dim3A_382 : vector<16xi32>
    %gather3A_708 = tpu.vector_load_idx %arg6[%add3A_707] : memref<256xf32, #tpu.memory_space<vmem>>[vector<16xi32>], vector<16xf32>,
    %mul3A_709 = arith.constant 16 : i32
    %mul3A_710 = vector.broadcast %mul3A_709 : i32 to vector<16xi32>
    %mul3A_711 = arith.muli %iota3A, %mul3A_710 : vector<16xi32>
    %add3A_712 = arith.addi %mul3A_711, %broadcast_in_dim3A_389 : vector<16xi32>
    %gather3A_713 = tpu.vector_load_idx %arg7[%add3A_712] : memref<256xf32, #tpu.memory_space<vmem>>[vector<16xi32>], vector<16xf32>,
    %mul3A_714 = arith.constant 16 : i32
    %mul3A_715 = vector.broadcast %mul3A_714 : i32 to vector<16xi32>
    %mul3A_716 = arith.muli %broadcast_in_dim3A_396, %mul3A_715 : vector<16xi32>
    %add3A_717 = arith.addi %mul3A_716, %iota3A : vector<16xi32>
    %gather3A_718 = tpu.vector_load_idx %arg8[%add3A_717] : memref<256xf32, #tpu.memory_space<vmem>>[vector<16xi32>], vector<16xf32>,
    %select_n3A_719 = arith.select %lt3A_379, %gather3A_713, %gather3A_718 : vector<16xi1>, vector<16xf32>
    %select_n3A_720 = arith.select %lt3A_376, %gather3A_708, %select_n3A_719 : vector<16xi1>, vector<16xf32>
    %swap3A_721 = arith.constant 1 : i32
    %swap3A_722 = arith.constant 0 : i32
    %swap3A_723 = arith.index_cast %swap3A_721 : i32 to index
    %swap3A_724 = arith.index_cast %swap3A_722 : i32 to index
    %swap3A_725 = arith.constant 224 : index
    %swap3A_726 = tpu.vector_load %arg9[%swap3A_723, %swap3A_724, %swap3A_725] {strides = array<i32>} : memref<3x16x256xf32, #tpu.memory_space<vmem>>, vector<16xf32>,
    tpu.vector_store %arg9[%swap3A_723, %swap3A_724, %swap3A_725], %select_n3A_720 {strides = array<i32>} : memref<3x16x256xf32, #tpu.memory_space<vmem>>, vector<16xf32>,
    %broadcast_in_dim3A_727 = arith.constant 240 : i32
    %broadcast_in_dim3A_728 = vector.broadcast %broadcast_in_dim3A_727 : i32 to vector<16xi32>
    %add3A_729 = arith.addi %broadcast_in_dim3A_728, %broadcast_in_dim3A_382 : vector<16xi32>
    %gather3A_730 = tpu.vector_load_idx %arg6[%add3A_729] : memref<256xf32, #tpu.memory_space<vmem>>[vector<16xi32>], vector<16xf32>,
    %mul3A_731 = arith.constant 16 : i32
    %mul3A_732 = vector.broadcast %mul3A_731 : i32 to vector<16xi32>
    %mul3A_733 = arith.muli %iota3A, %mul3A_732 : vector<16xi32>
    %add3A_734 = arith.addi %mul3A_733, %broadcast_in_dim3A_389 : vector<16xi32>
    %gather3A_735 = tpu.vector_load_idx %arg7[%add3A_734] : memref<256xf32, #tpu.memory_space<vmem>>[vector<16xi32>], vector<16xf32>,
    %mul3A_736 = arith.constant 16 : i32
    %mul3A_737 = vector.broadcast %mul3A_736 : i32 to vector<16xi32>
    %mul3A_738 = arith.muli %broadcast_in_dim3A_396, %mul3A_737 : vector<16xi32>
    %add3A_739 = arith.addi %mul3A_738, %iota3A : vector<16xi32>
    %gather3A_740 = tpu.vector_load_idx %arg8[%add3A_739] : memref<256xf32, #tpu.memory_space<vmem>>[vector<16xi32>], vector<16xf32>,
    %select_n3A_741 = arith.select %lt3A_379, %gather3A_735, %gather3A_740 : vector<16xi1>, vector<16xf32>
    %select_n3A_742 = arith.select %lt3A_376, %gather3A_730, %select_n3A_741 : vector<16xi1>, vector<16xf32>
    %swap3A_743 = arith.constant 1 : i32
    %swap3A_744 = arith.constant 0 : i32
    %swap3A_745 = arith.index_cast %swap3A_743 : i32 to index
    %swap3A_746 = arith.index_cast %swap3A_744 : i32 to index
    %swap3A_747 = arith.constant 240 : index
    %swap3A_748 = tpu.vector_load %arg9[%swap3A_745, %swap3A_746, %swap3A_747] {strides = array<i32>} : memref<3x16x256xf32, #tpu.memory_space<vmem>>, vector<16xf32>,
    tpu.vector_store %arg9[%swap3A_745, %swap3A_746, %swap3A_747], %select_n3A_742 {strides = array<i32>} : memref<3x16x256xf32, #tpu.memory_space<vmem>>, vector<16xf32>,
    %mul3A_749 = arith.constant 3 : i32
    %mul3A_750 = arith.muli %arg1, %mul3A_749 : i32
    %add3A_751 = arith.constant 2 : i32
    %add3A_752 = arith.addi %mul3A_750, %add3A_751 : i32
    %broadcast_in_dim3A_753 = vector.broadcast %add3A_752 : i32 to vector<16xi32>
    %lt3A_754 = arith.constant 16 : i32
    %lt3A_755 = vector.broadcast %lt3A_754 : i32 to vector<16xi32>
    %lt3A_756 = arith.cmpi slt, %broadcast_in_dim3A_753, %lt3A_755 : vector<16xi32>
    %lt3A_757 = arith.constant 32 : i32
    %lt3A_758 = vector.broadcast %lt3A_757 : i32 to vector<16xi32>
    %lt3A_759 = arith.cmpi slt, %broadcast_in_dim3A_753, %lt3A_758 : vector<16xi32>
    %min3A_760 = arith.constant 15 : i32
    %min3A_761 = arith.minsi %add3A_752, %min3A_760 : i32
    %broadcast_in_dim3A_762 = vector.broadcast %min3A_761 : i32 to vector<16xi32>
    %sub3A_763 = arith.constant 16 : i32
    %sub3A_764 = arith.subi %add3A_752, %sub3A_763 : i32
    %jit3A_765 = arith.constant 0 : i32
    %jit3A_766 = arith.constant 15 : i32
    %max3A_767 = arith.maxsi %jit3A_765, %sub3A_764 : i32
    %min3A_768 = arith.minsi %jit3A_766, %max3A_767 : i32
    %broadcast_in_dim3A_769 = vector.broadcast %min3A_768 : i32 to vector<16xi32>
    %sub3A_770 = arith.constant 32 : i32
    %sub3A_771 = arith.subi %add3A_752, %sub3A_770 : i32
    %jit3A_772 = arith.constant 0 : i32
    %jit3A_773 = arith.constant 15 : i32
    %max3A_774 = arith.maxsi %jit3A_772, %sub3A_771 : i32
    %min3A_775 = arith.minsi %jit3A_773, %max3A_774 : i32
    %broadcast_in_dim3A_776 = vector.broadcast %min3A_775 : i32 to vector<16xi32>
    %broadcast_in_dim3A_777 = arith.constant 0 : i32
    %broadcast_in_dim3A_778 = vector.broadcast %broadcast_in_dim3A_777 : i32 to vector<16xi32>
    %add3A_779 = arith.addi %broadcast_in_dim3A_778, %broadcast_in_dim3A_762 : vector<16xi32>
    %gather3A_780 = tpu.vector_load_idx %arg6[%add3A_779] : memref<256xf32, #tpu.memory_space<vmem>>[vector<16xi32>], vector<16xf32>,
    %mul3A_781 = arith.constant 16 : i32
    %mul3A_782 = vector.broadcast %mul3A_781 : i32 to vector<16xi32>
    %mul3A_783 = arith.muli %iota3A, %mul3A_782 : vector<16xi32>
    %add3A_784 = arith.addi %mul3A_783, %broadcast_in_dim3A_769 : vector<16xi32>
    %gather3A_785 = tpu.vector_load_idx %arg7[%add3A_784] : memref<256xf32, #tpu.memory_space<vmem>>[vector<16xi32>], vector<16xf32>,
    %mul3A_786 = arith.constant 16 : i32
    %mul3A_787 = vector.broadcast %mul3A_786 : i32 to vector<16xi32>
    %mul3A_788 = arith.muli %broadcast_in_dim3A_776, %mul3A_787 : vector<16xi32>
    %add3A_789 = arith.addi %mul3A_788, %iota3A : vector<16xi32>
    %gather3A_790 = tpu.vector_load_idx %arg8[%add3A_789] : memref<256xf32, #tpu.memory_space<vmem>>[vector<16xi32>], vector<16xf32>,
    %select_n3A_791 = arith.select %lt3A_759, %gather3A_785, %gather3A_790 : vector<16xi1>, vector<16xf32>
    %select_n3A_792 = arith.select %lt3A_756, %gather3A_780, %select_n3A_791 : vector<16xi1>, vector<16xf32>
    %swap3A_793 = arith.constant 2 : i32
    %swap3A_794 = arith.constant 0 : i32
    %swap3A_795 = arith.index_cast %swap3A_793 : i32 to index
    %swap3A_796 = arith.index_cast %swap3A_794 : i32 to index
    %swap3A_797 = arith.constant 0 : index
    %swap3A_798 = tpu.vector_load %arg9[%swap3A_795, %swap3A_796, %swap3A_797] {strides = array<i32>} : memref<3x16x256xf32, #tpu.memory_space<vmem>>, vector<16xf32>,
    tpu.vector_store %arg9[%swap3A_795, %swap3A_796, %swap3A_797], %select_n3A_792 {strides = array<i32>} : memref<3x16x256xf32, #tpu.memory_space<vmem>>, vector<16xf32>,
    %broadcast_in_dim3A_799 = arith.constant 16 : i32
    %broadcast_in_dim3A_800 = vector.broadcast %broadcast_in_dim3A_799 : i32 to vector<16xi32>
    %add3A_801 = arith.addi %broadcast_in_dim3A_800, %broadcast_in_dim3A_762 : vector<16xi32>
    %gather3A_802 = tpu.vector_load_idx %arg6[%add3A_801] : memref<256xf32, #tpu.memory_space<vmem>>[vector<16xi32>], vector<16xf32>,
    %mul3A_803 = arith.constant 16 : i32
    %mul3A_804 = vector.broadcast %mul3A_803 : i32 to vector<16xi32>
    %mul3A_805 = arith.muli %iota3A, %mul3A_804 : vector<16xi32>
    %add3A_806 = arith.addi %mul3A_805, %broadcast_in_dim3A_769 : vector<16xi32>
    %gather3A_807 = tpu.vector_load_idx %arg7[%add3A_806] : memref<256xf32, #tpu.memory_space<vmem>>[vector<16xi32>], vector<16xf32>,
    %mul3A_808 = arith.constant 16 : i32
    %mul3A_809 = vector.broadcast %mul3A_808 : i32 to vector<16xi32>
    %mul3A_810 = arith.muli %broadcast_in_dim3A_776, %mul3A_809 : vector<16xi32>
    %add3A_811 = arith.addi %mul3A_810, %iota3A : vector<16xi32>
    %gather3A_812 = tpu.vector_load_idx %arg8[%add3A_811] : memref<256xf32, #tpu.memory_space<vmem>>[vector<16xi32>], vector<16xf32>,
    %select_n3A_813 = arith.select %lt3A_759, %gather3A_807, %gather3A_812 : vector<16xi1>, vector<16xf32>
    %select_n3A_814 = arith.select %lt3A_756, %gather3A_802, %select_n3A_813 : vector<16xi1>, vector<16xf32>
    %swap3A_815 = arith.constant 2 : i32
    %swap3A_816 = arith.constant 0 : i32
    %swap3A_817 = arith.index_cast %swap3A_815 : i32 to index
    %swap3A_818 = arith.index_cast %swap3A_816 : i32 to index
    %swap3A_819 = arith.constant 16 : index
    %swap3A_820 = tpu.vector_load %arg9[%swap3A_817, %swap3A_818, %swap3A_819] {strides = array<i32>} : memref<3x16x256xf32, #tpu.memory_space<vmem>>, vector<16xf32>,
    tpu.vector_store %arg9[%swap3A_817, %swap3A_818, %swap3A_819], %select_n3A_814 {strides = array<i32>} : memref<3x16x256xf32, #tpu.memory_space<vmem>>, vector<16xf32>,
    %broadcast_in_dim3A_821 = arith.constant 32 : i32
    %broadcast_in_dim3A_822 = vector.broadcast %broadcast_in_dim3A_821 : i32 to vector<16xi32>
    %add3A_823 = arith.addi %broadcast_in_dim3A_822, %broadcast_in_dim3A_762 : vector<16xi32>
    %gather3A_824 = tpu.vector_load_idx %arg6[%add3A_823] : memref<256xf32, #tpu.memory_space<vmem>>[vector<16xi32>], vector<16xf32>,
    %mul3A_825 = arith.constant 16 : i32
    %mul3A_826 = vector.broadcast %mul3A_825 : i32 to vector<16xi32>
    %mul3A_827 = arith.muli %iota3A, %mul3A_826 : vector<16xi32>
    %add3A_828 = arith.addi %mul3A_827, %broadcast_in_dim3A_769 : vector<16xi32>
    %gather3A_829 = tpu.vector_load_idx %arg7[%add3A_828] : memref<256xf32, #tpu.memory_space<vmem>>[vector<16xi32>], vector<16xf32>,
    %mul3A_830 = arith.constant 16 : i32
    %mul3A_831 = vector.broadcast %mul3A_830 : i32 to vector<16xi32>
    %mul3A_832 = arith.muli %broadcast_in_dim3A_776, %mul3A_831 : vector<16xi32>
    %add3A_833 = arith.addi %mul3A_832, %iota3A : vector<16xi32>
    %gather3A_834 = tpu.vector_load_idx %arg8[%add3A_833] : memref<256xf32, #tpu.memory_space<vmem>>[vector<16xi32>], vector<16xf32>,
    %select_n3A_835 = arith.select %lt3A_759, %gather3A_829, %gather3A_834 : vector<16xi1>, vector<16xf32>
    %select_n3A_836 = arith.select %lt3A_756, %gather3A_824, %select_n3A_835 : vector<16xi1>, vector<16xf32>
    %swap3A_837 = arith.constant 2 : i32
    %swap3A_838 = arith.constant 0 : i32
    %swap3A_839 = arith.index_cast %swap3A_837 : i32 to index
    %swap3A_840 = arith.index_cast %swap3A_838 : i32 to index
    %swap3A_841 = arith.constant 32 : index
    %swap3A_842 = tpu.vector_load %arg9[%swap3A_839, %swap3A_840, %swap3A_841] {strides = array<i32>} : memref<3x16x256xf32, #tpu.memory_space<vmem>>, vector<16xf32>,
    tpu.vector_store %arg9[%swap3A_839, %swap3A_840, %swap3A_841], %select_n3A_836 {strides = array<i32>} : memref<3x16x256xf32, #tpu.memory_space<vmem>>, vector<16xf32>,
    %broadcast_in_dim3A_843 = arith.constant 48 : i32
    %broadcast_in_dim3A_844 = vector.broadcast %broadcast_in_dim3A_843 : i32 to vector<16xi32>
    %add3A_845 = arith.addi %broadcast_in_dim3A_844, %broadcast_in_dim3A_762 : vector<16xi32>
    %gather3A_846 = tpu.vector_load_idx %arg6[%add3A_845] : memref<256xf32, #tpu.memory_space<vmem>>[vector<16xi32>], vector<16xf32>,
    %mul3A_847 = arith.constant 16 : i32
    %mul3A_848 = vector.broadcast %mul3A_847 : i32 to vector<16xi32>
    %mul3A_849 = arith.muli %iota3A, %mul3A_848 : vector<16xi32>
    %add3A_850 = arith.addi %mul3A_849, %broadcast_in_dim3A_769 : vector<16xi32>
    %gather3A_851 = tpu.vector_load_idx %arg7[%add3A_850] : memref<256xf32, #tpu.memory_space<vmem>>[vector<16xi32>], vector<16xf32>,
    %mul3A_852 = arith.constant 16 : i32
    %mul3A_853 = vector.broadcast %mul3A_852 : i32 to vector<16xi32>
    %mul3A_854 = arith.muli %broadcast_in_dim3A_776, %mul3A_853 : vector<16xi32>
    %add3A_855 = arith.addi %mul3A_854, %iota3A : vector<16xi32>
    %gather3A_856 = tpu.vector_load_idx %arg8[%add3A_855] : memref<256xf32, #tpu.memory_space<vmem>>[vector<16xi32>], vector<16xf32>,
    %select_n3A_857 = arith.select %lt3A_759, %gather3A_851, %gather3A_856 : vector<16xi1>, vector<16xf32>
    %select_n3A_858 = arith.select %lt3A_756, %gather3A_846, %select_n3A_857 : vector<16xi1>, vector<16xf32>
    %swap3A_859 = arith.constant 2 : i32
    %swap3A_860 = arith.constant 0 : i32
    %swap3A_861 = arith.index_cast %swap3A_859 : i32 to index
    %swap3A_862 = arith.index_cast %swap3A_860 : i32 to index
    %swap3A_863 = arith.constant 48 : index
    %swap3A_864 = tpu.vector_load %arg9[%swap3A_861, %swap3A_862, %swap3A_863] {strides = array<i32>} : memref<3x16x256xf32, #tpu.memory_space<vmem>>, vector<16xf32>,
    tpu.vector_store %arg9[%swap3A_861, %swap3A_862, %swap3A_863], %select_n3A_858 {strides = array<i32>} : memref<3x16x256xf32, #tpu.memory_space<vmem>>, vector<16xf32>,
    %broadcast_in_dim3A_865 = arith.constant 64 : i32
    %broadcast_in_dim3A_866 = vector.broadcast %broadcast_in_dim3A_865 : i32 to vector<16xi32>
    %add3A_867 = arith.addi %broadcast_in_dim3A_866, %broadcast_in_dim3A_762 : vector<16xi32>
    %gather3A_868 = tpu.vector_load_idx %arg6[%add3A_867] : memref<256xf32, #tpu.memory_space<vmem>>[vector<16xi32>], vector<16xf32>,
    %mul3A_869 = arith.constant 16 : i32
    %mul3A_870 = vector.broadcast %mul3A_869 : i32 to vector<16xi32>
    %mul3A_871 = arith.muli %iota3A, %mul3A_870 : vector<16xi32>
    %add3A_872 = arith.addi %mul3A_871, %broadcast_in_dim3A_769 : vector<16xi32>
    %gather3A_873 = tpu.vector_load_idx %arg7[%add3A_872] : memref<256xf32, #tpu.memory_space<vmem>>[vector<16xi32>], vector<16xf32>,
    %mul3A_874 = arith.constant 16 : i32
    %mul3A_875 = vector.broadcast %mul3A_874 : i32 to vector<16xi32>
    %mul3A_876 = arith.muli %broadcast_in_dim3A_776, %mul3A_875 : vector<16xi32>
    %add3A_877 = arith.addi %mul3A_876, %iota3A : vector<16xi32>
    %gather3A_878 = tpu.vector_load_idx %arg8[%add3A_877] : memref<256xf32, #tpu.memory_space<vmem>>[vector<16xi32>], vector<16xf32>,
    %select_n3A_879 = arith.select %lt3A_759, %gather3A_873, %gather3A_878 : vector<16xi1>, vector<16xf32>
    %select_n3A_880 = arith.select %lt3A_756, %gather3A_868, %select_n3A_879 : vector<16xi1>, vector<16xf32>
    %swap3A_881 = arith.constant 2 : i32
    %swap3A_882 = arith.constant 0 : i32
    %swap3A_883 = arith.index_cast %swap3A_881 : i32 to index
    %swap3A_884 = arith.index_cast %swap3A_882 : i32 to index
    %swap3A_885 = arith.constant 64 : index
    %swap3A_886 = tpu.vector_load %arg9[%swap3A_883, %swap3A_884, %swap3A_885] {strides = array<i32>} : memref<3x16x256xf32, #tpu.memory_space<vmem>>, vector<16xf32>,
    tpu.vector_store %arg9[%swap3A_883, %swap3A_884, %swap3A_885], %select_n3A_880 {strides = array<i32>} : memref<3x16x256xf32, #tpu.memory_space<vmem>>, vector<16xf32>,
    %broadcast_in_dim3A_887 = arith.constant 80 : i32
    %broadcast_in_dim3A_888 = vector.broadcast %broadcast_in_dim3A_887 : i32 to vector<16xi32>
    %add3A_889 = arith.addi %broadcast_in_dim3A_888, %broadcast_in_dim3A_762 : vector<16xi32>
    %gather3A_890 = tpu.vector_load_idx %arg6[%add3A_889] : memref<256xf32, #tpu.memory_space<vmem>>[vector<16xi32>], vector<16xf32>,
    %mul3A_891 = arith.constant 16 : i32
    %mul3A_892 = vector.broadcast %mul3A_891 : i32 to vector<16xi32>
    %mul3A_893 = arith.muli %iota3A, %mul3A_892 : vector<16xi32>
    %add3A_894 = arith.addi %mul3A_893, %broadcast_in_dim3A_769 : vector<16xi32>
    %gather3A_895 = tpu.vector_load_idx %arg7[%add3A_894] : memref<256xf32, #tpu.memory_space<vmem>>[vector<16xi32>], vector<16xf32>,
    %mul3A_896 = arith.constant 16 : i32
    %mul3A_897 = vector.broadcast %mul3A_896 : i32 to vector<16xi32>
    %mul3A_898 = arith.muli %broadcast_in_dim3A_776, %mul3A_897 : vector<16xi32>
    %add3A_899 = arith.addi %mul3A_898, %iota3A : vector<16xi32>
    %gather3A_900 = tpu.vector_load_idx %arg8[%add3A_899] : memref<256xf32, #tpu.memory_space<vmem>>[vector<16xi32>], vector<16xf32>,
    %select_n3A_901 = arith.select %lt3A_759, %gather3A_895, %gather3A_900 : vector<16xi1>, vector<16xf32>
    %select_n3A_902 = arith.select %lt3A_756, %gather3A_890, %select_n3A_901 : vector<16xi1>, vector<16xf32>
    %swap3A_903 = arith.constant 2 : i32
    %swap3A_904 = arith.constant 0 : i32
    %swap3A_905 = arith.index_cast %swap3A_903 : i32 to index
    %swap3A_906 = arith.index_cast %swap3A_904 : i32 to index
    %swap3A_907 = arith.constant 80 : index
    %swap3A_908 = tpu.vector_load %arg9[%swap3A_905, %swap3A_906, %swap3A_907] {strides = array<i32>} : memref<3x16x256xf32, #tpu.memory_space<vmem>>, vector<16xf32>,
    tpu.vector_store %arg9[%swap3A_905, %swap3A_906, %swap3A_907], %select_n3A_902 {strides = array<i32>} : memref<3x16x256xf32, #tpu.memory_space<vmem>>, vector<16xf32>,
    %broadcast_in_dim3A_909 = arith.constant 96 : i32
    %broadcast_in_dim3A_910 = vector.broadcast %broadcast_in_dim3A_909 : i32 to vector<16xi32>
    %add3A_911 = arith.addi %broadcast_in_dim3A_910, %broadcast_in_dim3A_762 : vector<16xi32>
    %gather3A_912 = tpu.vector_load_idx %arg6[%add3A_911] : memref<256xf32, #tpu.memory_space<vmem>>[vector<16xi32>], vector<16xf32>,
    %mul3A_913 = arith.constant 16 : i32
    %mul3A_914 = vector.broadcast %mul3A_913 : i32 to vector<16xi32>
    %mul3A_915 = arith.muli %iota3A, %mul3A_914 : vector<16xi32>
    %add3A_916 = arith.addi %mul3A_915, %broadcast_in_dim3A_769 : vector<16xi32>
    %gather3A_917 = tpu.vector_load_idx %arg7[%add3A_916] : memref<256xf32, #tpu.memory_space<vmem>>[vector<16xi32>], vector<16xf32>,
    %mul3A_918 = arith.constant 16 : i32
    %mul3A_919 = vector.broadcast %mul3A_918 : i32 to vector<16xi32>
    %mul3A_920 = arith.muli %broadcast_in_dim3A_776, %mul3A_919 : vector<16xi32>
    %add3A_921 = arith.addi %mul3A_920, %iota3A : vector<16xi32>
    %gather3A_922 = tpu.vector_load_idx %arg8[%add3A_921] : memref<256xf32, #tpu.memory_space<vmem>>[vector<16xi32>], vector<16xf32>,
    %select_n3A_923 = arith.select %lt3A_759, %gather3A_917, %gather3A_922 : vector<16xi1>, vector<16xf32>
    %select_n3A_924 = arith.select %lt3A_756, %gather3A_912, %select_n3A_923 : vector<16xi1>, vector<16xf32>
    %swap3A_925 = arith.constant 2 : i32
    %swap3A_926 = arith.constant 0 : i32
    %swap3A_927 = arith.index_cast %swap3A_925 : i32 to index
    %swap3A_928 = arith.index_cast %swap3A_926 : i32 to index
    %swap3A_929 = arith.constant 96 : index
    %swap3A_930 = tpu.vector_load %arg9[%swap3A_927, %swap3A_928, %swap3A_929] {strides = array<i32>} : memref<3x16x256xf32, #tpu.memory_space<vmem>>, vector<16xf32>,
    tpu.vector_store %arg9[%swap3A_927, %swap3A_928, %swap3A_929], %select_n3A_924 {strides = array<i32>} : memref<3x16x256xf32, #tpu.memory_space<vmem>>, vector<16xf32>,
    %broadcast_in_dim3A_931 = arith.constant 112 : i32
    %broadcast_in_dim3A_932 = vector.broadcast %broadcast_in_dim3A_931 : i32 to vector<16xi32>
    %add3A_933 = arith.addi %broadcast_in_dim3A_932, %broadcast_in_dim3A_762 : vector<16xi32>
    %gather3A_934 = tpu.vector_load_idx %arg6[%add3A_933] : memref<256xf32, #tpu.memory_space<vmem>>[vector<16xi32>], vector<16xf32>,
    %mul3A_935 = arith.constant 16 : i32
    %mul3A_936 = vector.broadcast %mul3A_935 : i32 to vector<16xi32>
    %mul3A_937 = arith.muli %iota3A, %mul3A_936 : vector<16xi32>
    %add3A_938 = arith.addi %mul3A_937, %broadcast_in_dim3A_769 : vector<16xi32>
    %gather3A_939 = tpu.vector_load_idx %arg7[%add3A_938] : memref<256xf32, #tpu.memory_space<vmem>>[vector<16xi32>], vector<16xf32>,
    %mul3A_940 = arith.constant 16 : i32
    %mul3A_941 = vector.broadcast %mul3A_940 : i32 to vector<16xi32>
    %mul3A_942 = arith.muli %broadcast_in_dim3A_776, %mul3A_941 : vector<16xi32>
    %add3A_943 = arith.addi %mul3A_942, %iota3A : vector<16xi32>
    %gather3A_944 = tpu.vector_load_idx %arg8[%add3A_943] : memref<256xf32, #tpu.memory_space<vmem>>[vector<16xi32>], vector<16xf32>,
    %select_n3A_945 = arith.select %lt3A_759, %gather3A_939, %gather3A_944 : vector<16xi1>, vector<16xf32>
    %select_n3A_946 = arith.select %lt3A_756, %gather3A_934, %select_n3A_945 : vector<16xi1>, vector<16xf32>
    %swap3A_947 = arith.constant 2 : i32
    %swap3A_948 = arith.constant 0 : i32
    %swap3A_949 = arith.index_cast %swap3A_947 : i32 to index
    %swap3A_950 = arith.index_cast %swap3A_948 : i32 to index
    %swap3A_951 = arith.constant 112 : index
    %swap3A_952 = tpu.vector_load %arg9[%swap3A_949, %swap3A_950, %swap3A_951] {strides = array<i32>} : memref<3x16x256xf32, #tpu.memory_space<vmem>>, vector<16xf32>,
    tpu.vector_store %arg9[%swap3A_949, %swap3A_950, %swap3A_951], %select_n3A_946 {strides = array<i32>} : memref<3x16x256xf32, #tpu.memory_space<vmem>>, vector<16xf32>,
    %broadcast_in_dim3A_953 = arith.constant 128 : i32
    %broadcast_in_dim3A_954 = vector.broadcast %broadcast_in_dim3A_953 : i32 to vector<16xi32>
    %add3A_955 = arith.addi %broadcast_in_dim3A_954, %broadcast_in_dim3A_762 : vector<16xi32>
    %gather3A_956 = tpu.vector_load_idx %arg6[%add3A_955] : memref<256xf32, #tpu.memory_space<vmem>>[vector<16xi32>], vector<16xf32>,
    %mul3A_957 = arith.constant 16 : i32
    %mul3A_958 = vector.broadcast %mul3A_957 : i32 to vector<16xi32>
    %mul3A_959 = arith.muli %iota3A, %mul3A_958 : vector<16xi32>
    %add3A_960 = arith.addi %mul3A_959, %broadcast_in_dim3A_769 : vector<16xi32>
    %gather3A_961 = tpu.vector_load_idx %arg7[%add3A_960] : memref<256xf32, #tpu.memory_space<vmem>>[vector<16xi32>], vector<16xf32>,
    %mul3A_962 = arith.constant 16 : i32
    %mul3A_963 = vector.broadcast %mul3A_962 : i32 to vector<16xi32>
    %mul3A_964 = arith.muli %broadcast_in_dim3A_776, %mul3A_963 : vector<16xi32>
    %add3A_965 = arith.addi %mul3A_964, %iota3A : vector<16xi32>
    %gather3A_966 = tpu.vector_load_idx %arg8[%add3A_965] : memref<256xf32, #tpu.memory_space<vmem>>[vector<16xi32>], vector<16xf32>,
    %select_n3A_967 = arith.select %lt3A_759, %gather3A_961, %gather3A_966 : vector<16xi1>, vector<16xf32>
    %select_n3A_968 = arith.select %lt3A_756, %gather3A_956, %select_n3A_967 : vector<16xi1>, vector<16xf32>
    %swap3A_969 = arith.constant 2 : i32
    %swap3A_970 = arith.constant 0 : i32
    %swap3A_971 = arith.index_cast %swap3A_969 : i32 to index
    %swap3A_972 = arith.index_cast %swap3A_970 : i32 to index
    %swap3A_973 = arith.constant 128 : index
    %swap3A_974 = tpu.vector_load %arg9[%swap3A_971, %swap3A_972, %swap3A_973] {strides = array<i32>} : memref<3x16x256xf32, #tpu.memory_space<vmem>>, vector<16xf32>,
    tpu.vector_store %arg9[%swap3A_971, %swap3A_972, %swap3A_973], %select_n3A_968 {strides = array<i32>} : memref<3x16x256xf32, #tpu.memory_space<vmem>>, vector<16xf32>,
    %broadcast_in_dim3A_975 = arith.constant 144 : i32
    %broadcast_in_dim3A_976 = vector.broadcast %broadcast_in_dim3A_975 : i32 to vector<16xi32>
    %add3A_977 = arith.addi %broadcast_in_dim3A_976, %broadcast_in_dim3A_762 : vector<16xi32>
    %gather3A_978 = tpu.vector_load_idx %arg6[%add3A_977] : memref<256xf32, #tpu.memory_space<vmem>>[vector<16xi32>], vector<16xf32>,
    %mul3A_979 = arith.constant 16 : i32
    %mul3A_980 = vector.broadcast %mul3A_979 : i32 to vector<16xi32>
    %mul3A_981 = arith.muli %iota3A, %mul3A_980 : vector<16xi32>
    %add3A_982 = arith.addi %mul3A_981, %broadcast_in_dim3A_769 : vector<16xi32>
    %gather3A_983 = tpu.vector_load_idx %arg7[%add3A_982] : memref<256xf32, #tpu.memory_space<vmem>>[vector<16xi32>], vector<16xf32>,
    %mul3A_984 = arith.constant 16 : i32
    %mul3A_985 = vector.broadcast %mul3A_984 : i32 to vector<16xi32>
    %mul3A_986 = arith.muli %broadcast_in_dim3A_776, %mul3A_985 : vector<16xi32>
    %add3A_987 = arith.addi %mul3A_986, %iota3A : vector<16xi32>
    %gather3A_988 = tpu.vector_load_idx %arg8[%add3A_987] : memref<256xf32, #tpu.memory_space<vmem>>[vector<16xi32>], vector<16xf32>,
    %select_n3A_989 = arith.select %lt3A_759, %gather3A_983, %gather3A_988 : vector<16xi1>, vector<16xf32>
    %select_n3A_990 = arith.select %lt3A_756, %gather3A_978, %select_n3A_989 : vector<16xi1>, vector<16xf32>
    %swap3A_991 = arith.constant 2 : i32
    %swap3A_992 = arith.constant 0 : i32
    %swap3A_993 = arith.index_cast %swap3A_991 : i32 to index
    %swap3A_994 = arith.index_cast %swap3A_992 : i32 to index
    %swap3A_995 = arith.constant 144 : index
    %swap3A_996 = tpu.vector_load %arg9[%swap3A_993, %swap3A_994, %swap3A_995] {strides = array<i32>} : memref<3x16x256xf32, #tpu.memory_space<vmem>>, vector<16xf32>,
    tpu.vector_store %arg9[%swap3A_993, %swap3A_994, %swap3A_995], %select_n3A_990 {strides = array<i32>} : memref<3x16x256xf32, #tpu.memory_space<vmem>>, vector<16xf32>,
    %broadcast_in_dim3A_997 = arith.constant 160 : i32
    %broadcast_in_dim3A_998 = vector.broadcast %broadcast_in_dim3A_997 : i32 to vector<16xi32>
    %add3A_999 = arith.addi %broadcast_in_dim3A_998, %broadcast_in_dim3A_762 : vector<16xi32>
    %gather3A_1000 = tpu.vector_load_idx %arg6[%add3A_999] : memref<256xf32, #tpu.memory_space<vmem>>[vector<16xi32>], vector<16xf32>,
    %mul3A_1001 = arith.constant 16 : i32
    %mul3A_1002 = vector.broadcast %mul3A_1001 : i32 to vector<16xi32>
    %mul3A_1003 = arith.muli %iota3A, %mul3A_1002 : vector<16xi32>
    %add3A_1004 = arith.addi %mul3A_1003, %broadcast_in_dim3A_769 : vector<16xi32>
    %gather3A_1005 = tpu.vector_load_idx %arg7[%add3A_1004] : memref<256xf32, #tpu.memory_space<vmem>>[vector<16xi32>], vector<16xf32>,
    %mul3A_1006 = arith.constant 16 : i32
    %mul3A_1007 = vector.broadcast %mul3A_1006 : i32 to vector<16xi32>
    %mul3A_1008 = arith.muli %broadcast_in_dim3A_776, %mul3A_1007 : vector<16xi32>
    %add3A_1009 = arith.addi %mul3A_1008, %iota3A : vector<16xi32>
    %gather3A_1010 = tpu.vector_load_idx %arg8[%add3A_1009] : memref<256xf32, #tpu.memory_space<vmem>>[vector<16xi32>], vector<16xf32>,
    %select_n3A_1011 = arith.select %lt3A_759, %gather3A_1005, %gather3A_1010 : vector<16xi1>, vector<16xf32>
    %select_n3A_1012 = arith.select %lt3A_756, %gather3A_1000, %select_n3A_1011 : vector<16xi1>, vector<16xf32>
    %swap3A_1013 = arith.constant 2 : i32
    %swap3A_1014 = arith.constant 0 : i32
    %swap3A_1015 = arith.index_cast %swap3A_1013 : i32 to index
    %swap3A_1016 = arith.index_cast %swap3A_1014 : i32 to index
    %swap3A_1017 = arith.constant 160 : index
    %swap3A_1018 = tpu.vector_load %arg9[%swap3A_1015, %swap3A_1016, %swap3A_1017] {strides = array<i32>} : memref<3x16x256xf32, #tpu.memory_space<vmem>>, vector<16xf32>,
    tpu.vector_store %arg9[%swap3A_1015, %swap3A_1016, %swap3A_1017], %select_n3A_1012 {strides = array<i32>} : memref<3x16x256xf32, #tpu.memory_space<vmem>>, vector<16xf32>,
    %broadcast_in_dim3A_1019 = arith.constant 176 : i32
    %broadcast_in_dim3A_1020 = vector.broadcast %broadcast_in_dim3A_1019 : i32 to vector<16xi32>
    %add3A_1021 = arith.addi %broadcast_in_dim3A_1020, %broadcast_in_dim3A_762 : vector<16xi32>
    %gather3A_1022 = tpu.vector_load_idx %arg6[%add3A_1021] : memref<256xf32, #tpu.memory_space<vmem>>[vector<16xi32>], vector<16xf32>,
    %mul3A_1023 = arith.constant 16 : i32
    %mul3A_1024 = vector.broadcast %mul3A_1023 : i32 to vector<16xi32>
    %mul3A_1025 = arith.muli %iota3A, %mul3A_1024 : vector<16xi32>
    %add3A_1026 = arith.addi %mul3A_1025, %broadcast_in_dim3A_769 : vector<16xi32>
    %gather3A_1027 = tpu.vector_load_idx %arg7[%add3A_1026] : memref<256xf32, #tpu.memory_space<vmem>>[vector<16xi32>], vector<16xf32>,
    %mul3A_1028 = arith.constant 16 : i32
    %mul3A_1029 = vector.broadcast %mul3A_1028 : i32 to vector<16xi32>
    %mul3A_1030 = arith.muli %broadcast_in_dim3A_776, %mul3A_1029 : vector<16xi32>
    %add3A_1031 = arith.addi %mul3A_1030, %iota3A : vector<16xi32>
    %gather3A_1032 = tpu.vector_load_idx %arg8[%add3A_1031] : memref<256xf32, #tpu.memory_space<vmem>>[vector<16xi32>], vector<16xf32>,
    %select_n3A_1033 = arith.select %lt3A_759, %gather3A_1027, %gather3A_1032 : vector<16xi1>, vector<16xf32>
    %select_n3A_1034 = arith.select %lt3A_756, %gather3A_1022, %select_n3A_1033 : vector<16xi1>, vector<16xf32>
    %swap3A_1035 = arith.constant 2 : i32
    %swap3A_1036 = arith.constant 0 : i32
    %swap3A_1037 = arith.index_cast %swap3A_1035 : i32 to index
    %swap3A_1038 = arith.index_cast %swap3A_1036 : i32 to index
    %swap3A_1039 = arith.constant 176 : index
    %swap3A_1040 = tpu.vector_load %arg9[%swap3A_1037, %swap3A_1038, %swap3A_1039] {strides = array<i32>} : memref<3x16x256xf32, #tpu.memory_space<vmem>>, vector<16xf32>,
    tpu.vector_store %arg9[%swap3A_1037, %swap3A_1038, %swap3A_1039], %select_n3A_1034 {strides = array<i32>} : memref<3x16x256xf32, #tpu.memory_space<vmem>>, vector<16xf32>,
    %broadcast_in_dim3A_1041 = arith.constant 192 : i32
    %broadcast_in_dim3A_1042 = vector.broadcast %broadcast_in_dim3A_1041 : i32 to vector<16xi32>
    %add3A_1043 = arith.addi %broadcast_in_dim3A_1042, %broadcast_in_dim3A_762 : vector<16xi32>
    %gather3A_1044 = tpu.vector_load_idx %arg6[%add3A_1043] : memref<256xf32, #tpu.memory_space<vmem>>[vector<16xi32>], vector<16xf32>,
    %mul3A_1045 = arith.constant 16 : i32
    %mul3A_1046 = vector.broadcast %mul3A_1045 : i32 to vector<16xi32>
    %mul3A_1047 = arith.muli %iota3A, %mul3A_1046 : vector<16xi32>
    %add3A_1048 = arith.addi %mul3A_1047, %broadcast_in_dim3A_769 : vector<16xi32>
    %gather3A_1049 = tpu.vector_load_idx %arg7[%add3A_1048] : memref<256xf32, #tpu.memory_space<vmem>>[vector<16xi32>], vector<16xf32>,
    %mul3A_1050 = arith.constant 16 : i32
    %mul3A_1051 = vector.broadcast %mul3A_1050 : i32 to vector<16xi32>
    %mul3A_1052 = arith.muli %broadcast_in_dim3A_776, %mul3A_1051 : vector<16xi32>
    %add3A_1053 = arith.addi %mul3A_1052, %iota3A : vector<16xi32>
    %gather3A_1054 = tpu.vector_load_idx %arg8[%add3A_1053] : memref<256xf32, #tpu.memory_space<vmem>>[vector<16xi32>], vector<16xf32>,
    %select_n3A_1055 = arith.select %lt3A_759, %gather3A_1049, %gather3A_1054 : vector<16xi1>, vector<16xf32>
    %select_n3A_1056 = arith.select %lt3A_756, %gather3A_1044, %select_n3A_1055 : vector<16xi1>, vector<16xf32>
    %swap3A_1057 = arith.constant 2 : i32
    %swap3A_1058 = arith.constant 0 : i32
    %swap3A_1059 = arith.index_cast %swap3A_1057 : i32 to index
    %swap3A_1060 = arith.index_cast %swap3A_1058 : i32 to index
    %swap3A_1061 = arith.constant 192 : index
    %swap3A_1062 = tpu.vector_load %arg9[%swap3A_1059, %swap3A_1060, %swap3A_1061] {strides = array<i32>} : memref<3x16x256xf32, #tpu.memory_space<vmem>>, vector<16xf32>,
    tpu.vector_store %arg9[%swap3A_1059, %swap3A_1060, %swap3A_1061], %select_n3A_1056 {strides = array<i32>} : memref<3x16x256xf32, #tpu.memory_space<vmem>>, vector<16xf32>,
    %broadcast_in_dim3A_1063 = arith.constant 208 : i32
    %broadcast_in_dim3A_1064 = vector.broadcast %broadcast_in_dim3A_1063 : i32 to vector<16xi32>
    %add3A_1065 = arith.addi %broadcast_in_dim3A_1064, %broadcast_in_dim3A_762 : vector<16xi32>
    %gather3A_1066 = tpu.vector_load_idx %arg6[%add3A_1065] : memref<256xf32, #tpu.memory_space<vmem>>[vector<16xi32>], vector<16xf32>,
    %mul3A_1067 = arith.constant 16 : i32
    %mul3A_1068 = vector.broadcast %mul3A_1067 : i32 to vector<16xi32>
    %mul3A_1069 = arith.muli %iota3A, %mul3A_1068 : vector<16xi32>
    %add3A_1070 = arith.addi %mul3A_1069, %broadcast_in_dim3A_769 : vector<16xi32>
    %gather3A_1071 = tpu.vector_load_idx %arg7[%add3A_1070] : memref<256xf32, #tpu.memory_space<vmem>>[vector<16xi32>], vector<16xf32>,
    %mul3A_1072 = arith.constant 16 : i32
    %mul3A_1073 = vector.broadcast %mul3A_1072 : i32 to vector<16xi32>
    %mul3A_1074 = arith.muli %broadcast_in_dim3A_776, %mul3A_1073 : vector<16xi32>
    %add3A_1075 = arith.addi %mul3A_1074, %iota3A : vector<16xi32>
    %gather3A_1076 = tpu.vector_load_idx %arg8[%add3A_1075] : memref<256xf32, #tpu.memory_space<vmem>>[vector<16xi32>], vector<16xf32>,
    %select_n3A_1077 = arith.select %lt3A_759, %gather3A_1071, %gather3A_1076 : vector<16xi1>, vector<16xf32>
    %select_n3A_1078 = arith.select %lt3A_756, %gather3A_1066, %select_n3A_1077 : vector<16xi1>, vector<16xf32>
    %swap3A_1079 = arith.constant 2 : i32
    %swap3A_1080 = arith.constant 0 : i32
    %swap3A_1081 = arith.index_cast %swap3A_1079 : i32 to index
    %swap3A_1082 = arith.index_cast %swap3A_1080 : i32 to index
    %swap3A_1083 = arith.constant 208 : index
    %swap3A_1084 = tpu.vector_load %arg9[%swap3A_1081, %swap3A_1082, %swap3A_1083] {strides = array<i32>} : memref<3x16x256xf32, #tpu.memory_space<vmem>>, vector<16xf32>,
    tpu.vector_store %arg9[%swap3A_1081, %swap3A_1082, %swap3A_1083], %select_n3A_1078 {strides = array<i32>} : memref<3x16x256xf32, #tpu.memory_space<vmem>>, vector<16xf32>,
    %broadcast_in_dim3A_1085 = arith.constant 224 : i32
    %broadcast_in_dim3A_1086 = vector.broadcast %broadcast_in_dim3A_1085 : i32 to vector<16xi32>
    %add3A_1087 = arith.addi %broadcast_in_dim3A_1086, %broadcast_in_dim3A_762 : vector<16xi32>
    %gather3A_1088 = tpu.vector_load_idx %arg6[%add3A_1087] : memref<256xf32, #tpu.memory_space<vmem>>[vector<16xi32>], vector<16xf32>,
    %mul3A_1089 = arith.constant 16 : i32
    %mul3A_1090 = vector.broadcast %mul3A_1089 : i32 to vector<16xi32>
    %mul3A_1091 = arith.muli %iota3A, %mul3A_1090 : vector<16xi32>
    %add3A_1092 = arith.addi %mul3A_1091, %broadcast_in_dim3A_769 : vector<16xi32>
    %gather3A_1093 = tpu.vector_load_idx %arg7[%add3A_1092] : memref<256xf32, #tpu.memory_space<vmem>>[vector<16xi32>], vector<16xf32>,
    %mul3A_1094 = arith.constant 16 : i32
    %mul3A_1095 = vector.broadcast %mul3A_1094 : i32 to vector<16xi32>
    %mul3A_1096 = arith.muli %broadcast_in_dim3A_776, %mul3A_1095 : vector<16xi32>
    %add3A_1097 = arith.addi %mul3A_1096, %iota3A : vector<16xi32>
    %gather3A_1098 = tpu.vector_load_idx %arg8[%add3A_1097] : memref<256xf32, #tpu.memory_space<vmem>>[vector<16xi32>], vector<16xf32>,
    %select_n3A_1099 = arith.select %lt3A_759, %gather3A_1093, %gather3A_1098 : vector<16xi1>, vector<16xf32>
    %select_n3A_1100 = arith.select %lt3A_756, %gather3A_1088, %select_n3A_1099 : vector<16xi1>, vector<16xf32>
    %swap3A_1101 = arith.constant 2 : i32
    %swap3A_1102 = arith.constant 0 : i32
    %swap3A_1103 = arith.index_cast %swap3A_1101 : i32 to index
    %swap3A_1104 = arith.index_cast %swap3A_1102 : i32 to index
    %swap3A_1105 = arith.constant 224 : index
    %swap3A_1106 = tpu.vector_load %arg9[%swap3A_1103, %swap3A_1104, %swap3A_1105] {strides = array<i32>} : memref<3x16x256xf32, #tpu.memory_space<vmem>>, vector<16xf32>,
    tpu.vector_store %arg9[%swap3A_1103, %swap3A_1104, %swap3A_1105], %select_n3A_1100 {strides = array<i32>} : memref<3x16x256xf32, #tpu.memory_space<vmem>>, vector<16xf32>,
    %broadcast_in_dim3A_1107 = arith.constant 240 : i32
    %broadcast_in_dim3A_1108 = vector.broadcast %broadcast_in_dim3A_1107 : i32 to vector<16xi32>
    %add3A_1109 = arith.addi %broadcast_in_dim3A_1108, %broadcast_in_dim3A_762 : vector<16xi32>
    %gather3A_1110 = tpu.vector_load_idx %arg6[%add3A_1109] : memref<256xf32, #tpu.memory_space<vmem>>[vector<16xi32>], vector<16xf32>,
    %mul3A_1111 = arith.constant 16 : i32
    %mul3A_1112 = vector.broadcast %mul3A_1111 : i32 to vector<16xi32>
    %mul3A_1113 = arith.muli %iota3A, %mul3A_1112 : vector<16xi32>
    %add3A_1114 = arith.addi %mul3A_1113, %broadcast_in_dim3A_769 : vector<16xi32>
    %gather3A_1115 = tpu.vector_load_idx %arg7[%add3A_1114] : memref<256xf32, #tpu.memory_space<vmem>>[vector<16xi32>], vector<16xf32>,
    %mul3A_1116 = arith.constant 16 : i32
    %mul3A_1117 = vector.broadcast %mul3A_1116 : i32 to vector<16xi32>
    %mul3A_1118 = arith.muli %broadcast_in_dim3A_776, %mul3A_1117 : vector<16xi32>
    %add3A_1119 = arith.addi %mul3A_1118, %iota3A : vector<16xi32>
    %gather3A_1120 = tpu.vector_load_idx %arg8[%add3A_1119] : memref<256xf32, #tpu.memory_space<vmem>>[vector<16xi32>], vector<16xf32>,
    %select_n3A_1121 = arith.select %lt3A_759, %gather3A_1115, %gather3A_1120 : vector<16xi1>, vector<16xf32>
    %select_n3A_1122 = arith.select %lt3A_756, %gather3A_1110, %select_n3A_1121 : vector<16xi1>, vector<16xf32>
    %swap3A_1123 = arith.constant 2 : i32
    %swap3A_1124 = arith.constant 0 : i32
    %swap3A_1125 = arith.index_cast %swap3A_1123 : i32 to index
    %swap3A_1126 = arith.index_cast %swap3A_1124 : i32 to index
    %swap3A_1127 = arith.constant 240 : index
    %swap3A_1128 = tpu.vector_load %arg9[%swap3A_1125, %swap3A_1126, %swap3A_1127] {strides = array<i32>} : memref<3x16x256xf32, #tpu.memory_space<vmem>>, vector<16xf32>,
    tpu.vector_store %arg9[%swap3A_1125, %swap3A_1126, %swap3A_1127], %select_n3A_1122 {strides = array<i32>} : memref<3x16x256xf32, #tpu.memory_space<vmem>>, vector<16xf32>,
    %scan3A = arith.constant 0 : i32
    %scan3A_1129 = arith.constant 1 : i32
    %scan3A_1130 = arith.constant 15 : i32
    %scan3A_1131 = arith.addi %scan3A_1129, %scan3A_1130 : i32
    %scan3A_1132 = arith.constant 1 : i32
    scf.for %scan3A_1150 = %scan3A_1129 to %scan3A_1131 step %scan3A_1132  : i32 {
      %get3A = arith.constant 0 : i32
      %get3A_1151 = arith.constant 0 : i32
      %get3A_1152 = arith.index_cast %get3A : i32 to index
      %get3A_1153 = arith.index_cast %get3A_1151 : i32 to index
      %get3A_1154 = arith.constant 0 : index
      %get3A_1155 = tpu.vector_load %arg9[%get3A_1152, %get3A_1153, %get3A_1154] {strides = array<i32>} : memref<3x16x256xf32, #tpu.memory_space<vmem>>, vector<16xf32>,
      %swap3A_1156 = arith.constant 0 : i32
      %swap3A_1157 = arith.index_cast %swap3A_1156 : i32 to index
      %swap3A_1158 = arith.index_cast %scan3A_1150 : i32 to index
      %swap3A_1159 = arith.constant 0 : index
      %swap3A_1160 = tpu.vector_load %arg9[%swap3A_1157, %swap3A_1158, %swap3A_1159] {strides = array<i32>} : memref<3x16x256xf32, #tpu.memory_space<vmem>>, vector<16xf32>,
      tpu.vector_store %arg9[%swap3A_1157, %swap3A_1158, %swap3A_1159], %get3A_1155 {strides = array<i32>} : memref<3x16x256xf32, #tpu.memory_space<vmem>>, vector<16xf32>,
      %get3A_1161 = arith.constant 0 : i32
      %get3A_1162 = arith.constant 0 : i32
      %get3A_1163 = arith.index_cast %get3A_1161 : i32 to index
      %get3A_1164 = arith.index_cast %get3A_1162 : i32 to index
      %get3A_1165 = arith.constant 16 : index
      %get3A_1166 = tpu.vector_load %arg9[%get3A_1163, %get3A_1164, %get3A_1165] {strides = array<i32>} : memref<3x16x256xf32, #tpu.memory_space<vmem>>, vector<16xf32>,
      %swap3A_1167 = arith.constant 0 : i32
      %swap3A_1168 = arith.index_cast %swap3A_1167 : i32 to index
      %swap3A_1169 = arith.index_cast %scan3A_1150 : i32 to index
      %swap3A_1170 = arith.constant 16 : index
      %swap3A_1171 = tpu.vector_load %arg9[%swap3A_1168, %swap3A_1169, %swap3A_1170] {strides = array<i32>} : memref<3x16x256xf32, #tpu.memory_space<vmem>>, vector<16xf32>,
      tpu.vector_store %arg9[%swap3A_1168, %swap3A_1169, %swap3A_1170], %get3A_1166 {strides = array<i32>} : memref<3x16x256xf32, #tpu.memory_space<vmem>>, vector<16xf32>,
      %get3A_1172 = arith.constant 0 : i32
      %get3A_1173 = arith.constant 0 : i32
      %get3A_1174 = arith.index_cast %get3A_1172 : i32 to index
      %get3A_1175 = arith.index_cast %get3A_1173 : i32 to index
      %get3A_1176 = arith.constant 32 : index
      %get3A_1177 = tpu.vector_load %arg9[%get3A_1174, %get3A_1175, %get3A_1176] {strides = array<i32>} : memref<3x16x256xf32, #tpu.memory_space<vmem>>, vector<16xf32>,
      %swap3A_1178 = arith.constant 0 : i32
      %swap3A_1179 = arith.index_cast %swap3A_1178 : i32 to index
      %swap3A_1180 = arith.index_cast %scan3A_1150 : i32 to index
      %swap3A_1181 = arith.constant 32 : index
      %swap3A_1182 = tpu.vector_load %arg9[%swap3A_1179, %swap3A_1180, %swap3A_1181] {strides = array<i32>} : memref<3x16x256xf32, #tpu.memory_space<vmem>>, vector<16xf32>,
      tpu.vector_store %arg9[%swap3A_1179, %swap3A_1180, %swap3A_1181], %get3A_1177 {strides = array<i32>} : memref<3x16x256xf32, #tpu.memory_space<vmem>>, vector<16xf32>,
      %get3A_1183 = arith.constant 0 : i32
      %get3A_1184 = arith.constant 0 : i32
      %get3A_1185 = arith.index_cast %get3A_1183 : i32 to index
      %get3A_1186 = arith.index_cast %get3A_1184 : i32 to index
      %get3A_1187 = arith.constant 48 : index
      %get3A_1188 = tpu.vector_load %arg9[%get3A_1185, %get3A_1186, %get3A_1187] {strides = array<i32>} : memref<3x16x256xf32, #tpu.memory_space<vmem>>, vector<16xf32>,
      %swap3A_1189 = arith.constant 0 : i32
      %swap3A_1190 = arith.index_cast %swap3A_1189 : i32 to index
      %swap3A_1191 = arith.index_cast %scan3A_1150 : i32 to index
      %swap3A_1192 = arith.constant 48 : index
      %swap3A_1193 = tpu.vector_load %arg9[%swap3A_1190, %swap3A_1191, %swap3A_1192] {strides = array<i32>} : memref<3x16x256xf32, #tpu.memory_space<vmem>>, vector<16xf32>,
      tpu.vector_store %arg9[%swap3A_1190, %swap3A_1191, %swap3A_1192], %get3A_1188 {strides = array<i32>} : memref<3x16x256xf32, #tpu.memory_space<vmem>>, vector<16xf32>,
      %get3A_1194 = arith.constant 0 : i32
      %get3A_1195 = arith.constant 0 : i32
      %get3A_1196 = arith.index_cast %get3A_1194 : i32 to index
      %get3A_1197 = arith.index_cast %get3A_1195 : i32 to index
      %get3A_1198 = arith.constant 64 : index
      %get3A_1199 = tpu.vector_load %arg9[%get3A_1196, %get3A_1197, %get3A_1198] {strides = array<i32>} : memref<3x16x256xf32, #tpu.memory_space<vmem>>, vector<16xf32>,
      %swap3A_1200 = arith.constant 0 : i32
      %swap3A_1201 = arith.index_cast %swap3A_1200 : i32 to index
      %swap3A_1202 = arith.index_cast %scan3A_1150 : i32 to index
      %swap3A_1203 = arith.constant 64 : index
      %swap3A_1204 = tpu.vector_load %arg9[%swap3A_1201, %swap3A_1202, %swap3A_1203] {strides = array<i32>} : memref<3x16x256xf32, #tpu.memory_space<vmem>>, vector<16xf32>,
      tpu.vector_store %arg9[%swap3A_1201, %swap3A_1202, %swap3A_1203], %get3A_1199 {strides = array<i32>} : memref<3x16x256xf32, #tpu.memory_space<vmem>>, vector<16xf32>,
      %get3A_1205 = arith.constant 0 : i32
      %get3A_1206 = arith.constant 0 : i32
      %get3A_1207 = arith.index_cast %get3A_1205 : i32 to index
      %get3A_1208 = arith.index_cast %get3A_1206 : i32 to index
      %get3A_1209 = arith.constant 80 : index
      %get3A_1210 = tpu.vector_load %arg9[%get3A_1207, %get3A_1208, %get3A_1209] {strides = array<i32>} : memref<3x16x256xf32, #tpu.memory_space<vmem>>, vector<16xf32>,
      %swap3A_1211 = arith.constant 0 : i32
      %swap3A_1212 = arith.index_cast %swap3A_1211 : i32 to index
      %swap3A_1213 = arith.index_cast %scan3A_1150 : i32 to index
      %swap3A_1214 = arith.constant 80 : index
      %swap3A_1215 = tpu.vector_load %arg9[%swap3A_1212, %swap3A_1213, %swap3A_1214] {strides = array<i32>} : memref<3x16x256xf32, #tpu.memory_space<vmem>>, vector<16xf32>,
      tpu.vector_store %arg9[%swap3A_1212, %swap3A_1213, %swap3A_1214], %get3A_1210 {strides = array<i32>} : memref<3x16x256xf32, #tpu.memory_space<vmem>>, vector<16xf32>,
      %get3A_1216 = arith.constant 0 : i32
      %get3A_1217 = arith.constant 0 : i32
      %get3A_1218 = arith.index_cast %get3A_1216 : i32 to index
      %get3A_1219 = arith.index_cast %get3A_1217 : i32 to index
      %get3A_1220 = arith.constant 96 : index
      %get3A_1221 = tpu.vector_load %arg9[%get3A_1218, %get3A_1219, %get3A_1220] {strides = array<i32>} : memref<3x16x256xf32, #tpu.memory_space<vmem>>, vector<16xf32>,
      %swap3A_1222 = arith.constant 0 : i32
      %swap3A_1223 = arith.index_cast %swap3A_1222 : i32 to index
      %swap3A_1224 = arith.index_cast %scan3A_1150 : i32 to index
      %swap3A_1225 = arith.constant 96 : index
      %swap3A_1226 = tpu.vector_load %arg9[%swap3A_1223, %swap3A_1224, %swap3A_1225] {strides = array<i32>} : memref<3x16x256xf32, #tpu.memory_space<vmem>>, vector<16xf32>,
      tpu.vector_store %arg9[%swap3A_1223, %swap3A_1224, %swap3A_1225], %get3A_1221 {strides = array<i32>} : memref<3x16x256xf32, #tpu.memory_space<vmem>>, vector<16xf32>,
      %get3A_1227 = arith.constant 0 : i32
      %get3A_1228 = arith.constant 0 : i32
      %get3A_1229 = arith.index_cast %get3A_1227 : i32 to index
      %get3A_1230 = arith.index_cast %get3A_1228 : i32 to index
      %get3A_1231 = arith.constant 112 : index
      %get3A_1232 = tpu.vector_load %arg9[%get3A_1229, %get3A_1230, %get3A_1231] {strides = array<i32>} : memref<3x16x256xf32, #tpu.memory_space<vmem>>, vector<16xf32>,
      %swap3A_1233 = arith.constant 0 : i32
      %swap3A_1234 = arith.index_cast %swap3A_1233 : i32 to index
      %swap3A_1235 = arith.index_cast %scan3A_1150 : i32 to index
      %swap3A_1236 = arith.constant 112 : index
      %swap3A_1237 = tpu.vector_load %arg9[%swap3A_1234, %swap3A_1235, %swap3A_1236] {strides = array<i32>} : memref<3x16x256xf32, #tpu.memory_space<vmem>>, vector<16xf32>,
      tpu.vector_store %arg9[%swap3A_1234, %swap3A_1235, %swap3A_1236], %get3A_1232 {strides = array<i32>} : memref<3x16x256xf32, #tpu.memory_space<vmem>>, vector<16xf32>,
      %get3A_1238 = arith.constant 0 : i32
      %get3A_1239 = arith.constant 0 : i32
      %get3A_1240 = arith.index_cast %get3A_1238 : i32 to index
      %get3A_1241 = arith.index_cast %get3A_1239 : i32 to index
      %get3A_1242 = arith.constant 128 : index
      %get3A_1243 = tpu.vector_load %arg9[%get3A_1240, %get3A_1241, %get3A_1242] {strides = array<i32>} : memref<3x16x256xf32, #tpu.memory_space<vmem>>, vector<16xf32>,
      %swap3A_1244 = arith.constant 0 : i32
      %swap3A_1245 = arith.index_cast %swap3A_1244 : i32 to index
      %swap3A_1246 = arith.index_cast %scan3A_1150 : i32 to index
      %swap3A_1247 = arith.constant 128 : index
      %swap3A_1248 = tpu.vector_load %arg9[%swap3A_1245, %swap3A_1246, %swap3A_1247] {strides = array<i32>} : memref<3x16x256xf32, #tpu.memory_space<vmem>>, vector<16xf32>,
      tpu.vector_store %arg9[%swap3A_1245, %swap3A_1246, %swap3A_1247], %get3A_1243 {strides = array<i32>} : memref<3x16x256xf32, #tpu.memory_space<vmem>>, vector<16xf32>,
      %get3A_1249 = arith.constant 0 : i32
      %get3A_1250 = arith.constant 0 : i32
      %get3A_1251 = arith.index_cast %get3A_1249 : i32 to index
      %get3A_1252 = arith.index_cast %get3A_1250 : i32 to index
      %get3A_1253 = arith.constant 144 : index
      %get3A_1254 = tpu.vector_load %arg9[%get3A_1251, %get3A_1252, %get3A_1253] {strides = array<i32>} : memref<3x16x256xf32, #tpu.memory_space<vmem>>, vector<16xf32>,
      %swap3A_1255 = arith.constant 0 : i32
      %swap3A_1256 = arith.index_cast %swap3A_1255 : i32 to index
      %swap3A_1257 = arith.index_cast %scan3A_1150 : i32 to index
      %swap3A_1258 = arith.constant 144 : index
      %swap3A_1259 = tpu.vector_load %arg9[%swap3A_1256, %swap3A_1257, %swap3A_1258] {strides = array<i32>} : memref<3x16x256xf32, #tpu.memory_space<vmem>>, vector<16xf32>,
      tpu.vector_store %arg9[%swap3A_1256, %swap3A_1257, %swap3A_1258], %get3A_1254 {strides = array<i32>} : memref<3x16x256xf32, #tpu.memory_space<vmem>>, vector<16xf32>,
      %get3A_1260 = arith.constant 0 : i32
      %get3A_1261 = arith.constant 0 : i32
      %get3A_1262 = arith.index_cast %get3A_1260 : i32 to index
      %get3A_1263 = arith.index_cast %get3A_1261 : i32 to index
      %get3A_1264 = arith.constant 160 : index
      %get3A_1265 = tpu.vector_load %arg9[%get3A_1262, %get3A_1263, %get3A_1264] {strides = array<i32>} : memref<3x16x256xf32, #tpu.memory_space<vmem>>, vector<16xf32>,
      %swap3A_1266 = arith.constant 0 : i32
      %swap3A_1267 = arith.index_cast %swap3A_1266 : i32 to index
      %swap3A_1268 = arith.index_cast %scan3A_1150 : i32 to index
      %swap3A_1269 = arith.constant 160 : index
      %swap3A_1270 = tpu.vector_load %arg9[%swap3A_1267, %swap3A_1268, %swap3A_1269] {strides = array<i32>} : memref<3x16x256xf32, #tpu.memory_space<vmem>>, vector<16xf32>,
      tpu.vector_store %arg9[%swap3A_1267, %swap3A_1268, %swap3A_1269], %get3A_1265 {strides = array<i32>} : memref<3x16x256xf32, #tpu.memory_space<vmem>>, vector<16xf32>,
      %get3A_1271 = arith.constant 0 : i32
      %get3A_1272 = arith.constant 0 : i32
      %get3A_1273 = arith.index_cast %get3A_1271 : i32 to index
      %get3A_1274 = arith.index_cast %get3A_1272 : i32 to index
      %get3A_1275 = arith.constant 176 : index
      %get3A_1276 = tpu.vector_load %arg9[%get3A_1273, %get3A_1274, %get3A_1275] {strides = array<i32>} : memref<3x16x256xf32, #tpu.memory_space<vmem>>, vector<16xf32>,
      %swap3A_1277 = arith.constant 0 : i32
      %swap3A_1278 = arith.index_cast %swap3A_1277 : i32 to index
      %swap3A_1279 = arith.index_cast %scan3A_1150 : i32 to index
      %swap3A_1280 = arith.constant 176 : index
      %swap3A_1281 = tpu.vector_load %arg9[%swap3A_1278, %swap3A_1279, %swap3A_1280] {strides = array<i32>} : memref<3x16x256xf32, #tpu.memory_space<vmem>>, vector<16xf32>,
      tpu.vector_store %arg9[%swap3A_1278, %swap3A_1279, %swap3A_1280], %get3A_1276 {strides = array<i32>} : memref<3x16x256xf32, #tpu.memory_space<vmem>>, vector<16xf32>,
      %get3A_1282 = arith.constant 0 : i32
      %get3A_1283 = arith.constant 0 : i32
      %get3A_1284 = arith.index_cast %get3A_1282 : i32 to index
      %get3A_1285 = arith.index_cast %get3A_1283 : i32 to index
      %get3A_1286 = arith.constant 192 : index
      %get3A_1287 = tpu.vector_load %arg9[%get3A_1284, %get3A_1285, %get3A_1286] {strides = array<i32>} : memref<3x16x256xf32, #tpu.memory_space<vmem>>, vector<16xf32>,
      %swap3A_1288 = arith.constant 0 : i32
      %swap3A_1289 = arith.index_cast %swap3A_1288 : i32 to index
      %swap3A_1290 = arith.index_cast %scan3A_1150 : i32 to index
      %swap3A_1291 = arith.constant 192 : index
      %swap3A_1292 = tpu.vector_load %arg9[%swap3A_1289, %swap3A_1290, %swap3A_1291] {strides = array<i32>} : memref<3x16x256xf32, #tpu.memory_space<vmem>>, vector<16xf32>,
      tpu.vector_store %arg9[%swap3A_1289, %swap3A_1290, %swap3A_1291], %get3A_1287 {strides = array<i32>} : memref<3x16x256xf32, #tpu.memory_space<vmem>>, vector<16xf32>,
      %get3A_1293 = arith.constant 0 : i32
      %get3A_1294 = arith.constant 0 : i32
      %get3A_1295 = arith.index_cast %get3A_1293 : i32 to index
      %get3A_1296 = arith.index_cast %get3A_1294 : i32 to index
      %get3A_1297 = arith.constant 208 : index
      %get3A_1298 = tpu.vector_load %arg9[%get3A_1295, %get3A_1296, %get3A_1297] {strides = array<i32>} : memref<3x16x256xf32, #tpu.memory_space<vmem>>, vector<16xf32>,
      %swap3A_1299 = arith.constant 0 : i32
      %swap3A_1300 = arith.index_cast %swap3A_1299 : i32 to index
      %swap3A_1301 = arith.index_cast %scan3A_1150 : i32 to index
      %swap3A_1302 = arith.constant 208 : index
      %swap3A_1303 = tpu.vector_load %arg9[%swap3A_1300, %swap3A_1301, %swap3A_1302] {strides = array<i32>} : memref<3x16x256xf32, #tpu.memory_space<vmem>>, vector<16xf32>,
      tpu.vector_store %arg9[%swap3A_1300, %swap3A_1301, %swap3A_1302], %get3A_1298 {strides = array<i32>} : memref<3x16x256xf32, #tpu.memory_space<vmem>>, vector<16xf32>,
      %get3A_1304 = arith.constant 0 : i32
      %get3A_1305 = arith.constant 0 : i32
      %get3A_1306 = arith.index_cast %get3A_1304 : i32 to index
      %get3A_1307 = arith.index_cast %get3A_1305 : i32 to index
      %get3A_1308 = arith.constant 224 : index
      %get3A_1309 = tpu.vector_load %arg9[%get3A_1306, %get3A_1307, %get3A_1308] {strides = array<i32>} : memref<3x16x256xf32, #tpu.memory_space<vmem>>, vector<16xf32>,
      %swap3A_1310 = arith.constant 0 : i32
      %swap3A_1311 = arith.index_cast %swap3A_1310 : i32 to index
      %swap3A_1312 = arith.index_cast %scan3A_1150 : i32 to index
      %swap3A_1313 = arith.constant 224 : index
      %swap3A_1314 = tpu.vector_load %arg9[%swap3A_1311, %swap3A_1312, %swap3A_1313] {strides = array<i32>} : memref<3x16x256xf32, #tpu.memory_space<vmem>>, vector<16xf32>,
      tpu.vector_store %arg9[%swap3A_1311, %swap3A_1312, %swap3A_1313], %get3A_1309 {strides = array<i32>} : memref<3x16x256xf32, #tpu.memory_space<vmem>>, vector<16xf32>,
      %get3A_1315 = arith.constant 0 : i32
      %get3A_1316 = arith.constant 0 : i32
      %get3A_1317 = arith.index_cast %get3A_1315 : i32 to index
      %get3A_1318 = arith.index_cast %get3A_1316 : i32 to index
      %get3A_1319 = arith.constant 240 : index
      %get3A_1320 = tpu.vector_load %arg9[%get3A_1317, %get3A_1318, %get3A_1319] {strides = array<i32>} : memref<3x16x256xf32, #tpu.memory_space<vmem>>, vector<16xf32>,
      %swap3A_1321 = arith.constant 0 : i32
      %swap3A_1322 = arith.index_cast %swap3A_1321 : i32 to index
      %swap3A_1323 = arith.index_cast %scan3A_1150 : i32 to index
      %swap3A_1324 = arith.constant 240 : index
      %swap3A_1325 = tpu.vector_load %arg9[%swap3A_1322, %swap3A_1323, %swap3A_1324] {strides = array<i32>} : memref<3x16x256xf32, #tpu.memory_space<vmem>>, vector<16xf32>,
      tpu.vector_store %arg9[%swap3A_1322, %swap3A_1323, %swap3A_1324], %get3A_1320 {strides = array<i32>} : memref<3x16x256xf32, #tpu.memory_space<vmem>>, vector<16xf32>,
      %get3A_1326 = arith.constant 1 : i32
      %get3A_1327 = arith.constant 0 : i32
      %get3A_1328 = arith.index_cast %get3A_1326 : i32 to index
      %get3A_1329 = arith.index_cast %get3A_1327 : i32 to index
      %get3A_1330 = arith.constant 0 : index
      %get3A_1331 = tpu.vector_load %arg9[%get3A_1328, %get3A_1329, %get3A_1330] {strides = array<i32>} : memref<3x16x256xf32, #tpu.memory_space<vmem>>, vector<16xf32>,
      %swap3A_1332 = arith.constant 1 : i32
      %swap3A_1333 = arith.index_cast %swap3A_1332 : i32 to index
      %swap3A_1334 = arith.index_cast %scan3A_1150 : i32 to index
      %swap3A_1335 = arith.constant 0 : index
      %swap3A_1336 = tpu.vector_load %arg9[%swap3A_1333, %swap3A_1334, %swap3A_1335] {strides = array<i32>} : memref<3x16x256xf32, #tpu.memory_space<vmem>>, vector<16xf32>,
      tpu.vector_store %arg9[%swap3A_1333, %swap3A_1334, %swap3A_1335], %get3A_1331 {strides = array<i32>} : memref<3x16x256xf32, #tpu.memory_space<vmem>>, vector<16xf32>,
      %get3A_1337 = arith.constant 1 : i32
      %get3A_1338 = arith.constant 0 : i32
      %get3A_1339 = arith.index_cast %get3A_1337 : i32 to index
      %get3A_1340 = arith.index_cast %get3A_1338 : i32 to index
      %get3A_1341 = arith.constant 16 : index
      %get3A_1342 = tpu.vector_load %arg9[%get3A_1339, %get3A_1340, %get3A_1341] {strides = array<i32>} : memref<3x16x256xf32, #tpu.memory_space<vmem>>, vector<16xf32>,
      %swap3A_1343 = arith.constant 1 : i32
      %swap3A_1344 = arith.index_cast %swap3A_1343 : i32 to index
      %swap3A_1345 = arith.index_cast %scan3A_1150 : i32 to index
      %swap3A_1346 = arith.constant 16 : index
      %swap3A_1347 = tpu.vector_load %arg9[%swap3A_1344, %swap3A_1345, %swap3A_1346] {strides = array<i32>} : memref<3x16x256xf32, #tpu.memory_space<vmem>>, vector<16xf32>,
      tpu.vector_store %arg9[%swap3A_1344, %swap3A_1345, %swap3A_1346], %get3A_1342 {strides = array<i32>} : memref<3x16x256xf32, #tpu.memory_space<vmem>>, vector<16xf32>,
      %get3A_1348 = arith.constant 1 : i32
      %get3A_1349 = arith.constant 0 : i32
      %get3A_1350 = arith.index_cast %get3A_1348 : i32 to index
      %get3A_1351 = arith.index_cast %get3A_1349 : i32 to index
      %get3A_1352 = arith.constant 32 : index
      %get3A_1353 = tpu.vector_load %arg9[%get3A_1350, %get3A_1351, %get3A_1352] {strides = array<i32>} : memref<3x16x256xf32, #tpu.memory_space<vmem>>, vector<16xf32>,
      %swap3A_1354 = arith.constant 1 : i32
      %swap3A_1355 = arith.index_cast %swap3A_1354 : i32 to index
      %swap3A_1356 = arith.index_cast %scan3A_1150 : i32 to index
      %swap3A_1357 = arith.constant 32 : index
      %swap3A_1358 = tpu.vector_load %arg9[%swap3A_1355, %swap3A_1356, %swap3A_1357] {strides = array<i32>} : memref<3x16x256xf32, #tpu.memory_space<vmem>>, vector<16xf32>,
      tpu.vector_store %arg9[%swap3A_1355, %swap3A_1356, %swap3A_1357], %get3A_1353 {strides = array<i32>} : memref<3x16x256xf32, #tpu.memory_space<vmem>>, vector<16xf32>,
      %get3A_1359 = arith.constant 1 : i32
      %get3A_1360 = arith.constant 0 : i32
      %get3A_1361 = arith.index_cast %get3A_1359 : i32 to index
      %get3A_1362 = arith.index_cast %get3A_1360 : i32 to index
      %get3A_1363 = arith.constant 48 : index
      %get3A_1364 = tpu.vector_load %arg9[%get3A_1361, %get3A_1362, %get3A_1363] {strides = array<i32>} : memref<3x16x256xf32, #tpu.memory_space<vmem>>, vector<16xf32>,
      %swap3A_1365 = arith.constant 1 : i32
      %swap3A_1366 = arith.index_cast %swap3A_1365 : i32 to index
      %swap3A_1367 = arith.index_cast %scan3A_1150 : i32 to index
      %swap3A_1368 = arith.constant 48 : index
      %swap3A_1369 = tpu.vector_load %arg9[%swap3A_1366, %swap3A_1367, %swap3A_1368] {strides = array<i32>} : memref<3x16x256xf32, #tpu.memory_space<vmem>>, vector<16xf32>,
      tpu.vector_store %arg9[%swap3A_1366, %swap3A_1367, %swap3A_1368], %get3A_1364 {strides = array<i32>} : memref<3x16x256xf32, #tpu.memory_space<vmem>>, vector<16xf32>,
      %get3A_1370 = arith.constant 1 : i32
      %get3A_1371 = arith.constant 0 : i32
      %get3A_1372 = arith.index_cast %get3A_1370 : i32 to index
      %get3A_1373 = arith.index_cast %get3A_1371 : i32 to index
      %get3A_1374 = arith.constant 64 : index
      %get3A_1375 = tpu.vector_load %arg9[%get3A_1372, %get3A_1373, %get3A_1374] {strides = array<i32>} : memref<3x16x256xf32, #tpu.memory_space<vmem>>, vector<16xf32>,
      %swap3A_1376 = arith.constant 1 : i32
      %swap3A_1377 = arith.index_cast %swap3A_1376 : i32 to index
      %swap3A_1378 = arith.index_cast %scan3A_1150 : i32 to index
      %swap3A_1379 = arith.constant 64 : index
      %swap3A_1380 = tpu.vector_load %arg9[%swap3A_1377, %swap3A_1378, %swap3A_1379] {strides = array<i32>} : memref<3x16x256xf32, #tpu.memory_space<vmem>>, vector<16xf32>,
      tpu.vector_store %arg9[%swap3A_1377, %swap3A_1378, %swap3A_1379], %get3A_1375 {strides = array<i32>} : memref<3x16x256xf32, #tpu.memory_space<vmem>>, vector<16xf32>,
      %get3A_1381 = arith.constant 1 : i32
      %get3A_1382 = arith.constant 0 : i32
      %get3A_1383 = arith.index_cast %get3A_1381 : i32 to index
      %get3A_1384 = arith.index_cast %get3A_1382 : i32 to index
      %get3A_1385 = arith.constant 80 : index
      %get3A_1386 = tpu.vector_load %arg9[%get3A_1383, %get3A_1384, %get3A_1385] {strides = array<i32>} : memref<3x16x256xf32, #tpu.memory_space<vmem>>, vector<16xf32>,
      %swap3A_1387 = arith.constant 1 : i32
      %swap3A_1388 = arith.index_cast %swap3A_1387 : i32 to index
      %swap3A_1389 = arith.index_cast %scan3A_1150 : i32 to index
      %swap3A_1390 = arith.constant 80 : index
      %swap3A_1391 = tpu.vector_load %arg9[%swap3A_1388, %swap3A_1389, %swap3A_1390] {strides = array<i32>} : memref<3x16x256xf32, #tpu.memory_space<vmem>>, vector<16xf32>,
      tpu.vector_store %arg9[%swap3A_1388, %swap3A_1389, %swap3A_1390], %get3A_1386 {strides = array<i32>} : memref<3x16x256xf32, #tpu.memory_space<vmem>>, vector<16xf32>,
      %get3A_1392 = arith.constant 1 : i32
      %get3A_1393 = arith.constant 0 : i32
      %get3A_1394 = arith.index_cast %get3A_1392 : i32 to index
      %get3A_1395 = arith.index_cast %get3A_1393 : i32 to index
      %get3A_1396 = arith.constant 96 : index
      %get3A_1397 = tpu.vector_load %arg9[%get3A_1394, %get3A_1395, %get3A_1396] {strides = array<i32>} : memref<3x16x256xf32, #tpu.memory_space<vmem>>, vector<16xf32>,
      %swap3A_1398 = arith.constant 1 : i32
      %swap3A_1399 = arith.index_cast %swap3A_1398 : i32 to index
      %swap3A_1400 = arith.index_cast %scan3A_1150 : i32 to index
      %swap3A_1401 = arith.constant 96 : index
      %swap3A_1402 = tpu.vector_load %arg9[%swap3A_1399, %swap3A_1400, %swap3A_1401] {strides = array<i32>} : memref<3x16x256xf32, #tpu.memory_space<vmem>>, vector<16xf32>,
      tpu.vector_store %arg9[%swap3A_1399, %swap3A_1400, %swap3A_1401], %get3A_1397 {strides = array<i32>} : memref<3x16x256xf32, #tpu.memory_space<vmem>>, vector<16xf32>,
      %get3A_1403 = arith.constant 1 : i32
      %get3A_1404 = arith.constant 0 : i32
      %get3A_1405 = arith.index_cast %get3A_1403 : i32 to index
      %get3A_1406 = arith.index_cast %get3A_1404 : i32 to index
      %get3A_1407 = arith.constant 112 : index
      %get3A_1408 = tpu.vector_load %arg9[%get3A_1405, %get3A_1406, %get3A_1407] {strides = array<i32>} : memref<3x16x256xf32, #tpu.memory_space<vmem>>, vector<16xf32>,
      %swap3A_1409 = arith.constant 1 : i32
      %swap3A_1410 = arith.index_cast %swap3A_1409 : i32 to index
      %swap3A_1411 = arith.index_cast %scan3A_1150 : i32 to index
      %swap3A_1412 = arith.constant 112 : index
      %swap3A_1413 = tpu.vector_load %arg9[%swap3A_1410, %swap3A_1411, %swap3A_1412] {strides = array<i32>} : memref<3x16x256xf32, #tpu.memory_space<vmem>>, vector<16xf32>,
      tpu.vector_store %arg9[%swap3A_1410, %swap3A_1411, %swap3A_1412], %get3A_1408 {strides = array<i32>} : memref<3x16x256xf32, #tpu.memory_space<vmem>>, vector<16xf32>,
      %get3A_1414 = arith.constant 1 : i32
      %get3A_1415 = arith.constant 0 : i32
      %get3A_1416 = arith.index_cast %get3A_1414 : i32 to index
      %get3A_1417 = arith.index_cast %get3A_1415 : i32 to index
      %get3A_1418 = arith.constant 128 : index
      %get3A_1419 = tpu.vector_load %arg9[%get3A_1416, %get3A_1417, %get3A_1418] {strides = array<i32>} : memref<3x16x256xf32, #tpu.memory_space<vmem>>, vector<16xf32>,
      %swap3A_1420 = arith.constant 1 : i32
      %swap3A_1421 = arith.index_cast %swap3A_1420 : i32 to index
      %swap3A_1422 = arith.index_cast %scan3A_1150 : i32 to index
      %swap3A_1423 = arith.constant 128 : index
      %swap3A_1424 = tpu.vector_load %arg9[%swap3A_1421, %swap3A_1422, %swap3A_1423] {strides = array<i32>} : memref<3x16x256xf32, #tpu.memory_space<vmem>>, vector<16xf32>,
      tpu.vector_store %arg9[%swap3A_1421, %swap3A_1422, %swap3A_1423], %get3A_1419 {strides = array<i32>} : memref<3x16x256xf32, #tpu.memory_space<vmem>>, vector<16xf32>,
      %get3A_1425 = arith.constant 1 : i32
      %get3A_1426 = arith.constant 0 : i32
      %get3A_1427 = arith.index_cast %get3A_1425 : i32 to index
      %get3A_1428 = arith.index_cast %get3A_1426 : i32 to index
      %get3A_1429 = arith.constant 144 : index
      %get3A_1430 = tpu.vector_load %arg9[%get3A_1427, %get3A_1428, %get3A_1429] {strides = array<i32>} : memref<3x16x256xf32, #tpu.memory_space<vmem>>, vector<16xf32>,
      %swap3A_1431 = arith.constant 1 : i32
      %swap3A_1432 = arith.index_cast %swap3A_1431 : i32 to index
      %swap3A_1433 = arith.index_cast %scan3A_1150 : i32 to index
      %swap3A_1434 = arith.constant 144 : index
      %swap3A_1435 = tpu.vector_load %arg9[%swap3A_1432, %swap3A_1433, %swap3A_1434] {strides = array<i32>} : memref<3x16x256xf32, #tpu.memory_space<vmem>>, vector<16xf32>,
      tpu.vector_store %arg9[%swap3A_1432, %swap3A_1433, %swap3A_1434], %get3A_1430 {strides = array<i32>} : memref<3x16x256xf32, #tpu.memory_space<vmem>>, vector<16xf32>,
      %get3A_1436 = arith.constant 1 : i32
      %get3A_1437 = arith.constant 0 : i32
      %get3A_1438 = arith.index_cast %get3A_1436 : i32 to index
      %get3A_1439 = arith.index_cast %get3A_1437 : i32 to index
      %get3A_1440 = arith.constant 160 : index
      %get3A_1441 = tpu.vector_load %arg9[%get3A_1438, %get3A_1439, %get3A_1440] {strides = array<i32>} : memref<3x16x256xf32, #tpu.memory_space<vmem>>, vector<16xf32>,
      %swap3A_1442 = arith.constant 1 : i32
      %swap3A_1443 = arith.index_cast %swap3A_1442 : i32 to index
      %swap3A_1444 = arith.index_cast %scan3A_1150 : i32 to index
      %swap3A_1445 = arith.constant 160 : index
      %swap3A_1446 = tpu.vector_load %arg9[%swap3A_1443, %swap3A_1444, %swap3A_1445] {strides = array<i32>} : memref<3x16x256xf32, #tpu.memory_space<vmem>>, vector<16xf32>,
      tpu.vector_store %arg9[%swap3A_1443, %swap3A_1444, %swap3A_1445], %get3A_1441 {strides = array<i32>} : memref<3x16x256xf32, #tpu.memory_space<vmem>>, vector<16xf32>,
      %get3A_1447 = arith.constant 1 : i32
      %get3A_1448 = arith.constant 0 : i32
      %get3A_1449 = arith.index_cast %get3A_1447 : i32 to index
      %get3A_1450 = arith.index_cast %get3A_1448 : i32 to index
      %get3A_1451 = arith.constant 176 : index
      %get3A_1452 = tpu.vector_load %arg9[%get3A_1449, %get3A_1450, %get3A_1451] {strides = array<i32>} : memref<3x16x256xf32, #tpu.memory_space<vmem>>, vector<16xf32>,
      %swap3A_1453 = arith.constant 1 : i32
      %swap3A_1454 = arith.index_cast %swap3A_1453 : i32 to index
      %swap3A_1455 = arith.index_cast %scan3A_1150 : i32 to index
      %swap3A_1456 = arith.constant 176 : index
      %swap3A_1457 = tpu.vector_load %arg9[%swap3A_1454, %swap3A_1455, %swap3A_1456] {strides = array<i32>} : memref<3x16x256xf32, #tpu.memory_space<vmem>>, vector<16xf32>,
      tpu.vector_store %arg9[%swap3A_1454, %swap3A_1455, %swap3A_1456], %get3A_1452 {strides = array<i32>} : memref<3x16x256xf32, #tpu.memory_space<vmem>>, vector<16xf32>,
      %get3A_1458 = arith.constant 1 : i32
      %get3A_1459 = arith.constant 0 : i32
      %get3A_1460 = arith.index_cast %get3A_1458 : i32 to index
      %get3A_1461 = arith.index_cast %get3A_1459 : i32 to index
      %get3A_1462 = arith.constant 192 : index
      %get3A_1463 = tpu.vector_load %arg9[%get3A_1460, %get3A_1461, %get3A_1462] {strides = array<i32>} : memref<3x16x256xf32, #tpu.memory_space<vmem>>, vector<16xf32>,
      %swap3A_1464 = arith.constant 1 : i32
      %swap3A_1465 = arith.index_cast %swap3A_1464 : i32 to index
      %swap3A_1466 = arith.index_cast %scan3A_1150 : i32 to index
      %swap3A_1467 = arith.constant 192 : index
      %swap3A_1468 = tpu.vector_load %arg9[%swap3A_1465, %swap3A_1466, %swap3A_1467] {strides = array<i32>} : memref<3x16x256xf32, #tpu.memory_space<vmem>>, vector<16xf32>,
      tpu.vector_store %arg9[%swap3A_1465, %swap3A_1466, %swap3A_1467], %get3A_1463 {strides = array<i32>} : memref<3x16x256xf32, #tpu.memory_space<vmem>>, vector<16xf32>,
      %get3A_1469 = arith.constant 1 : i32
      %get3A_1470 = arith.constant 0 : i32
      %get3A_1471 = arith.index_cast %get3A_1469 : i32 to index
      %get3A_1472 = arith.index_cast %get3A_1470 : i32 to index
      %get3A_1473 = arith.constant 208 : index
      %get3A_1474 = tpu.vector_load %arg9[%get3A_1471, %get3A_1472, %get3A_1473] {strides = array<i32>} : memref<3x16x256xf32, #tpu.memory_space<vmem>>, vector<16xf32>,
      %swap3A_1475 = arith.constant 1 : i32
      %swap3A_1476 = arith.index_cast %swap3A_1475 : i32 to index
      %swap3A_1477 = arith.index_cast %scan3A_1150 : i32 to index
      %swap3A_1478 = arith.constant 208 : index
      %swap3A_1479 = tpu.vector_load %arg9[%swap3A_1476, %swap3A_1477, %swap3A_1478] {strides = array<i32>} : memref<3x16x256xf32, #tpu.memory_space<vmem>>, vector<16xf32>,
      tpu.vector_store %arg9[%swap3A_1476, %swap3A_1477, %swap3A_1478], %get3A_1474 {strides = array<i32>} : memref<3x16x256xf32, #tpu.memory_space<vmem>>, vector<16xf32>,
      %get3A_1480 = arith.constant 1 : i32
      %get3A_1481 = arith.constant 0 : i32
      %get3A_1482 = arith.index_cast %get3A_1480 : i32 to index
      %get3A_1483 = arith.index_cast %get3A_1481 : i32 to index
      %get3A_1484 = arith.constant 224 : index
      %get3A_1485 = tpu.vector_load %arg9[%get3A_1482, %get3A_1483, %get3A_1484] {strides = array<i32>} : memref<3x16x256xf32, #tpu.memory_space<vmem>>, vector<16xf32>,
      %swap3A_1486 = arith.constant 1 : i32
      %swap3A_1487 = arith.index_cast %swap3A_1486 : i32 to index
      %swap3A_1488 = arith.index_cast %scan3A_1150 : i32 to index
      %swap3A_1489 = arith.constant 224 : index
      %swap3A_1490 = tpu.vector_load %arg9[%swap3A_1487, %swap3A_1488, %swap3A_1489] {strides = array<i32>} : memref<3x16x256xf32, #tpu.memory_space<vmem>>, vector<16xf32>,
      tpu.vector_store %arg9[%swap3A_1487, %swap3A_1488, %swap3A_1489], %get3A_1485 {strides = array<i32>} : memref<3x16x256xf32, #tpu.memory_space<vmem>>, vector<16xf32>,
      %get3A_1491 = arith.constant 1 : i32
      %get3A_1492 = arith.constant 0 : i32
      %get3A_1493 = arith.index_cast %get3A_1491 : i32 to index
      %get3A_1494 = arith.index_cast %get3A_1492 : i32 to index
      %get3A_1495 = arith.constant 240 : index
      %get3A_1496 = tpu.vector_load %arg9[%get3A_1493, %get3A_1494, %get3A_1495] {strides = array<i32>} : memref<3x16x256xf32, #tpu.memory_space<vmem>>, vector<16xf32>,
      %swap3A_1497 = arith.constant 1 : i32
      %swap3A_1498 = arith.index_cast %swap3A_1497 : i32 to index
      %swap3A_1499 = arith.index_cast %scan3A_1150 : i32 to index
      %swap3A_1500 = arith.constant 240 : index
      %swap3A_1501 = tpu.vector_load %arg9[%swap3A_1498, %swap3A_1499, %swap3A_1500] {strides = array<i32>} : memref<3x16x256xf32, #tpu.memory_space<vmem>>, vector<16xf32>,
      tpu.vector_store %arg9[%swap3A_1498, %swap3A_1499, %swap3A_1500], %get3A_1496 {strides = array<i32>} : memref<3x16x256xf32, #tpu.memory_space<vmem>>, vector<16xf32>,
      %get3A_1502 = arith.constant 2 : i32
      %get3A_1503 = arith.constant 0 : i32
      %get3A_1504 = arith.index_cast %get3A_1502 : i32 to index
      %get3A_1505 = arith.index_cast %get3A_1503 : i32 to index
      %get3A_1506 = arith.constant 0 : index
      %get3A_1507 = tpu.vector_load %arg9[%get3A_1504, %get3A_1505, %get3A_1506] {strides = array<i32>} : memref<3x16x256xf32, #tpu.memory_space<vmem>>, vector<16xf32>,
      %swap3A_1508 = arith.constant 2 : i32
      %swap3A_1509 = arith.index_cast %swap3A_1508 : i32 to index
      %swap3A_1510 = arith.index_cast %scan3A_1150 : i32 to index
      %swap3A_1511 = arith.constant 0 : index
      %swap3A_1512 = tpu.vector_load %arg9[%swap3A_1509, %swap3A_1510, %swap3A_1511] {strides = array<i32>} : memref<3x16x256xf32, #tpu.memory_space<vmem>>, vector<16xf32>,
      tpu.vector_store %arg9[%swap3A_1509, %swap3A_1510, %swap3A_1511], %get3A_1507 {strides = array<i32>} : memref<3x16x256xf32, #tpu.memory_space<vmem>>, vector<16xf32>,
      %get3A_1513 = arith.constant 2 : i32
      %get3A_1514 = arith.constant 0 : i32
      %get3A_1515 = arith.index_cast %get3A_1513 : i32 to index
      %get3A_1516 = arith.index_cast %get3A_1514 : i32 to index
      %get3A_1517 = arith.constant 16 : index
      %get3A_1518 = tpu.vector_load %arg9[%get3A_1515, %get3A_1516, %get3A_1517] {strides = array<i32>} : memref<3x16x256xf32, #tpu.memory_space<vmem>>, vector<16xf32>,
      %swap3A_1519 = arith.constant 2 : i32
      %swap3A_1520 = arith.index_cast %swap3A_1519 : i32 to index
      %swap3A_1521 = arith.index_cast %scan3A_1150 : i32 to index
      %swap3A_1522 = arith.constant 16 : index
      %swap3A_1523 = tpu.vector_load %arg9[%swap3A_1520, %swap3A_1521, %swap3A_1522] {strides = array<i32>} : memref<3x16x256xf32, #tpu.memory_space<vmem>>, vector<16xf32>,
      tpu.vector_store %arg9[%swap3A_1520, %swap3A_1521, %swap3A_1522], %get3A_1518 {strides = array<i32>} : memref<3x16x256xf32, #tpu.memory_space<vmem>>, vector<16xf32>,
      %get3A_1524 = arith.constant 2 : i32
      %get3A_1525 = arith.constant 0 : i32
      %get3A_1526 = arith.index_cast %get3A_1524 : i32 to index
      %get3A_1527 = arith.index_cast %get3A_1525 : i32 to index
      %get3A_1528 = arith.constant 32 : index
      %get3A_1529 = tpu.vector_load %arg9[%get3A_1526, %get3A_1527, %get3A_1528] {strides = array<i32>} : memref<3x16x256xf32, #tpu.memory_space<vmem>>, vector<16xf32>,
      %swap3A_1530 = arith.constant 2 : i32
      %swap3A_1531 = arith.index_cast %swap3A_1530 : i32 to index
      %swap3A_1532 = arith.index_cast %scan3A_1150 : i32 to index
      %swap3A_1533 = arith.constant 32 : index
      %swap3A_1534 = tpu.vector_load %arg9[%swap3A_1531, %swap3A_1532, %swap3A_1533] {strides = array<i32>} : memref<3x16x256xf32, #tpu.memory_space<vmem>>, vector<16xf32>,
      tpu.vector_store %arg9[%swap3A_1531, %swap3A_1532, %swap3A_1533], %get3A_1529 {strides = array<i32>} : memref<3x16x256xf32, #tpu.memory_space<vmem>>, vector<16xf32>,
      %get3A_1535 = arith.constant 2 : i32
      %get3A_1536 = arith.constant 0 : i32
      %get3A_1537 = arith.index_cast %get3A_1535 : i32 to index
      %get3A_1538 = arith.index_cast %get3A_1536 : i32 to index
      %get3A_1539 = arith.constant 48 : index
      %get3A_1540 = tpu.vector_load %arg9[%get3A_1537, %get3A_1538, %get3A_1539] {strides = array<i32>} : memref<3x16x256xf32, #tpu.memory_space<vmem>>, vector<16xf32>,
      %swap3A_1541 = arith.constant 2 : i32
      %swap3A_1542 = arith.index_cast %swap3A_1541 : i32 to index
      %swap3A_1543 = arith.index_cast %scan3A_1150 : i32 to index
      %swap3A_1544 = arith.constant 48 : index
      %swap3A_1545 = tpu.vector_load %arg9[%swap3A_1542, %swap3A_1543, %swap3A_1544] {strides = array<i32>} : memref<3x16x256xf32, #tpu.memory_space<vmem>>, vector<16xf32>,
      tpu.vector_store %arg9[%swap3A_1542, %swap3A_1543, %swap3A_1544], %get3A_1540 {strides = array<i32>} : memref<3x16x256xf32, #tpu.memory_space<vmem>>, vector<16xf32>,
      %get3A_1546 = arith.constant 2 : i32
      %get3A_1547 = arith.constant 0 : i32
      %get3A_1548 = arith.index_cast %get3A_1546 : i32 to index
      %get3A_1549 = arith.index_cast %get3A_1547 : i32 to index
      %get3A_1550 = arith.constant 64 : index
      %get3A_1551 = tpu.vector_load %arg9[%get3A_1548, %get3A_1549, %get3A_1550] {strides = array<i32>} : memref<3x16x256xf32, #tpu.memory_space<vmem>>, vector<16xf32>,
      %swap3A_1552 = arith.constant 2 : i32
      %swap3A_1553 = arith.index_cast %swap3A_1552 : i32 to index
      %swap3A_1554 = arith.index_cast %scan3A_1150 : i32 to index
      %swap3A_1555 = arith.constant 64 : index
      %swap3A_1556 = tpu.vector_load %arg9[%swap3A_1553, %swap3A_1554, %swap3A_1555] {strides = array<i32>} : memref<3x16x256xf32, #tpu.memory_space<vmem>>, vector<16xf32>,
      tpu.vector_store %arg9[%swap3A_1553, %swap3A_1554, %swap3A_1555], %get3A_1551 {strides = array<i32>} : memref<3x16x256xf32, #tpu.memory_space<vmem>>, vector<16xf32>,
      %get3A_1557 = arith.constant 2 : i32
      %get3A_1558 = arith.constant 0 : i32
      %get3A_1559 = arith.index_cast %get3A_1557 : i32 to index
      %get3A_1560 = arith.index_cast %get3A_1558 : i32 to index
      %get3A_1561 = arith.constant 80 : index
      %get3A_1562 = tpu.vector_load %arg9[%get3A_1559, %get3A_1560, %get3A_1561] {strides = array<i32>} : memref<3x16x256xf32, #tpu.memory_space<vmem>>, vector<16xf32>,
      %swap3A_1563 = arith.constant 2 : i32
      %swap3A_1564 = arith.index_cast %swap3A_1563 : i32 to index
      %swap3A_1565 = arith.index_cast %scan3A_1150 : i32 to index
      %swap3A_1566 = arith.constant 80 : index
      %swap3A_1567 = tpu.vector_load %arg9[%swap3A_1564, %swap3A_1565, %swap3A_1566] {strides = array<i32>} : memref<3x16x256xf32, #tpu.memory_space<vmem>>, vector<16xf32>,
      tpu.vector_store %arg9[%swap3A_1564, %swap3A_1565, %swap3A_1566], %get3A_1562 {strides = array<i32>} : memref<3x16x256xf32, #tpu.memory_space<vmem>>, vector<16xf32>,
      %get3A_1568 = arith.constant 2 : i32
      %get3A_1569 = arith.constant 0 : i32
      %get3A_1570 = arith.index_cast %get3A_1568 : i32 to index
      %get3A_1571 = arith.index_cast %get3A_1569 : i32 to index
      %get3A_1572 = arith.constant 96 : index
      %get3A_1573 = tpu.vector_load %arg9[%get3A_1570, %get3A_1571, %get3A_1572] {strides = array<i32>} : memref<3x16x256xf32, #tpu.memory_space<vmem>>, vector<16xf32>,
      %swap3A_1574 = arith.constant 2 : i32
      %swap3A_1575 = arith.index_cast %swap3A_1574 : i32 to index
      %swap3A_1576 = arith.index_cast %scan3A_1150 : i32 to index
      %swap3A_1577 = arith.constant 96 : index
      %swap3A_1578 = tpu.vector_load %arg9[%swap3A_1575, %swap3A_1576, %swap3A_1577] {strides = array<i32>} : memref<3x16x256xf32, #tpu.memory_space<vmem>>, vector<16xf32>,
      tpu.vector_store %arg9[%swap3A_1575, %swap3A_1576, %swap3A_1577], %get3A_1573 {strides = array<i32>} : memref<3x16x256xf32, #tpu.memory_space<vmem>>, vector<16xf32>,
      %get3A_1579 = arith.constant 2 : i32
      %get3A_1580 = arith.constant 0 : i32
      %get3A_1581 = arith.index_cast %get3A_1579 : i32 to index
      %get3A_1582 = arith.index_cast %get3A_1580 : i32 to index
      %get3A_1583 = arith.constant 112 : index
      %get3A_1584 = tpu.vector_load %arg9[%get3A_1581, %get3A_1582, %get3A_1583] {strides = array<i32>} : memref<3x16x256xf32, #tpu.memory_space<vmem>>, vector<16xf32>,
      %swap3A_1585 = arith.constant 2 : i32
      %swap3A_1586 = arith.index_cast %swap3A_1585 : i32 to index
      %swap3A_1587 = arith.index_cast %scan3A_1150 : i32 to index
      %swap3A_1588 = arith.constant 112 : index
      %swap3A_1589 = tpu.vector_load %arg9[%swap3A_1586, %swap3A_1587, %swap3A_1588] {strides = array<i32>} : memref<3x16x256xf32, #tpu.memory_space<vmem>>, vector<16xf32>,
      tpu.vector_store %arg9[%swap3A_1586, %swap3A_1587, %swap3A_1588], %get3A_1584 {strides = array<i32>} : memref<3x16x256xf32, #tpu.memory_space<vmem>>, vector<16xf32>,
      %get3A_1590 = arith.constant 2 : i32
      %get3A_1591 = arith.constant 0 : i32
      %get3A_1592 = arith.index_cast %get3A_1590 : i32 to index
      %get3A_1593 = arith.index_cast %get3A_1591 : i32 to index
      %get3A_1594 = arith.constant 128 : index
      %get3A_1595 = tpu.vector_load %arg9[%get3A_1592, %get3A_1593, %get3A_1594] {strides = array<i32>} : memref<3x16x256xf32, #tpu.memory_space<vmem>>, vector<16xf32>,
      %swap3A_1596 = arith.constant 2 : i32
      %swap3A_1597 = arith.index_cast %swap3A_1596 : i32 to index
      %swap3A_1598 = arith.index_cast %scan3A_1150 : i32 to index
      %swap3A_1599 = arith.constant 128 : index
      %swap3A_1600 = tpu.vector_load %arg9[%swap3A_1597, %swap3A_1598, %swap3A_1599] {strides = array<i32>} : memref<3x16x256xf32, #tpu.memory_space<vmem>>, vector<16xf32>,
      tpu.vector_store %arg9[%swap3A_1597, %swap3A_1598, %swap3A_1599], %get3A_1595 {strides = array<i32>} : memref<3x16x256xf32, #tpu.memory_space<vmem>>, vector<16xf32>,
      %get3A_1601 = arith.constant 2 : i32
      %get3A_1602 = arith.constant 0 : i32
      %get3A_1603 = arith.index_cast %get3A_1601 : i32 to index
      %get3A_1604 = arith.index_cast %get3A_1602 : i32 to index
      %get3A_1605 = arith.constant 144 : index
      %get3A_1606 = tpu.vector_load %arg9[%get3A_1603, %get3A_1604, %get3A_1605] {strides = array<i32>} : memref<3x16x256xf32, #tpu.memory_space<vmem>>, vector<16xf32>,
      %swap3A_1607 = arith.constant 2 : i32
      %swap3A_1608 = arith.index_cast %swap3A_1607 : i32 to index
      %swap3A_1609 = arith.index_cast %scan3A_1150 : i32 to index
      %swap3A_1610 = arith.constant 144 : index
      %swap3A_1611 = tpu.vector_load %arg9[%swap3A_1608, %swap3A_1609, %swap3A_1610] {strides = array<i32>} : memref<3x16x256xf32, #tpu.memory_space<vmem>>, vector<16xf32>,
      tpu.vector_store %arg9[%swap3A_1608, %swap3A_1609, %swap3A_1610], %get3A_1606 {strides = array<i32>} : memref<3x16x256xf32, #tpu.memory_space<vmem>>, vector<16xf32>,
      %get3A_1612 = arith.constant 2 : i32
      %get3A_1613 = arith.constant 0 : i32
      %get3A_1614 = arith.index_cast %get3A_1612 : i32 to index
      %get3A_1615 = arith.index_cast %get3A_1613 : i32 to index
      %get3A_1616 = arith.constant 160 : index
      %get3A_1617 = tpu.vector_load %arg9[%get3A_1614, %get3A_1615, %get3A_1616] {strides = array<i32>} : memref<3x16x256xf32, #tpu.memory_space<vmem>>, vector<16xf32>,
      %swap3A_1618 = arith.constant 2 : i32
      %swap3A_1619 = arith.index_cast %swap3A_1618 : i32 to index
      %swap3A_1620 = arith.index_cast %scan3A_1150 : i32 to index
      %swap3A_1621 = arith.constant 160 : index
      %swap3A_1622 = tpu.vector_load %arg9[%swap3A_1619, %swap3A_1620, %swap3A_1621] {strides = array<i32>} : memref<3x16x256xf32, #tpu.memory_space<vmem>>, vector<16xf32>,
      tpu.vector_store %arg9[%swap3A_1619, %swap3A_1620, %swap3A_1621], %get3A_1617 {strides = array<i32>} : memref<3x16x256xf32, #tpu.memory_space<vmem>>, vector<16xf32>,
      %get3A_1623 = arith.constant 2 : i32
      %get3A_1624 = arith.constant 0 : i32
      %get3A_1625 = arith.index_cast %get3A_1623 : i32 to index
      %get3A_1626 = arith.index_cast %get3A_1624 : i32 to index
      %get3A_1627 = arith.constant 176 : index
      %get3A_1628 = tpu.vector_load %arg9[%get3A_1625, %get3A_1626, %get3A_1627] {strides = array<i32>} : memref<3x16x256xf32, #tpu.memory_space<vmem>>, vector<16xf32>,
      %swap3A_1629 = arith.constant 2 : i32
      %swap3A_1630 = arith.index_cast %swap3A_1629 : i32 to index
      %swap3A_1631 = arith.index_cast %scan3A_1150 : i32 to index
      %swap3A_1632 = arith.constant 176 : index
      %swap3A_1633 = tpu.vector_load %arg9[%swap3A_1630, %swap3A_1631, %swap3A_1632] {strides = array<i32>} : memref<3x16x256xf32, #tpu.memory_space<vmem>>, vector<16xf32>,
      tpu.vector_store %arg9[%swap3A_1630, %swap3A_1631, %swap3A_1632], %get3A_1628 {strides = array<i32>} : memref<3x16x256xf32, #tpu.memory_space<vmem>>, vector<16xf32>,
      %get3A_1634 = arith.constant 2 : i32
      %get3A_1635 = arith.constant 0 : i32
      %get3A_1636 = arith.index_cast %get3A_1634 : i32 to index
      %get3A_1637 = arith.index_cast %get3A_1635 : i32 to index
      %get3A_1638 = arith.constant 192 : index
      %get3A_1639 = tpu.vector_load %arg9[%get3A_1636, %get3A_1637, %get3A_1638] {strides = array<i32>} : memref<3x16x256xf32, #tpu.memory_space<vmem>>, vector<16xf32>,
      %swap3A_1640 = arith.constant 2 : i32
      %swap3A_1641 = arith.index_cast %swap3A_1640 : i32 to index
      %swap3A_1642 = arith.index_cast %scan3A_1150 : i32 to index
      %swap3A_1643 = arith.constant 192 : index
      %swap3A_1644 = tpu.vector_load %arg9[%swap3A_1641, %swap3A_1642, %swap3A_1643] {strides = array<i32>} : memref<3x16x256xf32, #tpu.memory_space<vmem>>, vector<16xf32>,
      tpu.vector_store %arg9[%swap3A_1641, %swap3A_1642, %swap3A_1643], %get3A_1639 {strides = array<i32>} : memref<3x16x256xf32, #tpu.memory_space<vmem>>, vector<16xf32>,
      %get3A_1645 = arith.constant 2 : i32
      %get3A_1646 = arith.constant 0 : i32
      %get3A_1647 = arith.index_cast %get3A_1645 : i32 to index
      %get3A_1648 = arith.index_cast %get3A_1646 : i32 to index
      %get3A_1649 = arith.constant 208 : index
      %get3A_1650 = tpu.vector_load %arg9[%get3A_1647, %get3A_1648, %get3A_1649] {strides = array<i32>} : memref<3x16x256xf32, #tpu.memory_space<vmem>>, vector<16xf32>,
      %swap3A_1651 = arith.constant 2 : i32
      %swap3A_1652 = arith.index_cast %swap3A_1651 : i32 to index
      %swap3A_1653 = arith.index_cast %scan3A_1150 : i32 to index
      %swap3A_1654 = arith.constant 208 : index
      %swap3A_1655 = tpu.vector_load %arg9[%swap3A_1652, %swap3A_1653, %swap3A_1654] {strides = array<i32>} : memref<3x16x256xf32, #tpu.memory_space<vmem>>, vector<16xf32>,
      tpu.vector_store %arg9[%swap3A_1652, %swap3A_1653, %swap3A_1654], %get3A_1650 {strides = array<i32>} : memref<3x16x256xf32, #tpu.memory_space<vmem>>, vector<16xf32>,
      %get3A_1656 = arith.constant 2 : i32
      %get3A_1657 = arith.constant 0 : i32
      %get3A_1658 = arith.index_cast %get3A_1656 : i32 to index
      %get3A_1659 = arith.index_cast %get3A_1657 : i32 to index
      %get3A_1660 = arith.constant 224 : index
      %get3A_1661 = tpu.vector_load %arg9[%get3A_1658, %get3A_1659, %get3A_1660] {strides = array<i32>} : memref<3x16x256xf32, #tpu.memory_space<vmem>>, vector<16xf32>,
      %swap3A_1662 = arith.constant 2 : i32
      %swap3A_1663 = arith.index_cast %swap3A_1662 : i32 to index
      %swap3A_1664 = arith.index_cast %scan3A_1150 : i32 to index
      %swap3A_1665 = arith.constant 224 : index
      %swap3A_1666 = tpu.vector_load %arg9[%swap3A_1663, %swap3A_1664, %swap3A_1665] {strides = array<i32>} : memref<3x16x256xf32, #tpu.memory_space<vmem>>, vector<16xf32>,
      tpu.vector_store %arg9[%swap3A_1663, %swap3A_1664, %swap3A_1665], %get3A_1661 {strides = array<i32>} : memref<3x16x256xf32, #tpu.memory_space<vmem>>, vector<16xf32>,
      %get3A_1667 = arith.constant 2 : i32
      %get3A_1668 = arith.constant 0 : i32
      %get3A_1669 = arith.index_cast %get3A_1667 : i32 to index
      %get3A_1670 = arith.index_cast %get3A_1668 : i32 to index
      %get3A_1671 = arith.constant 240 : index
      %get3A_1672 = tpu.vector_load %arg9[%get3A_1669, %get3A_1670, %get3A_1671] {strides = array<i32>} : memref<3x16x256xf32, #tpu.memory_space<vmem>>, vector<16xf32>,
      %swap3A_1673 = arith.constant 2 : i32
      %swap3A_1674 = arith.index_cast %swap3A_1673 : i32 to index
      %swap3A_1675 = arith.index_cast %scan3A_1150 : i32 to index
      %swap3A_1676 = arith.constant 240 : index
      %swap3A_1677 = tpu.vector_load %arg9[%swap3A_1674, %swap3A_1675, %swap3A_1676] {strides = array<i32>} : memref<3x16x256xf32, #tpu.memory_space<vmem>>, vector<16xf32>,
      tpu.vector_store %arg9[%swap3A_1674, %swap3A_1675, %swap3A_1676], %get3A_1672 {strides = array<i32>} : memref<3x16x256xf32, #tpu.memory_space<vmem>>, vector<16xf32>,
    }
    %scan3A_1133 = arith.constant 15 : i32
    %mul3A_1134 = arith.constant 64 : i32
    %mul3A_1135 = arith.muli %arg0, %mul3A_1134 : i32
    %mul3A_1136 = arith.constant 3 : i32
    %mul3A_1137 = arith.muli %arg1, %mul3A_1136 : i32
    %scan3A_1138 = arith.constant 0 : i32
    %scan3A_1139 = arith.constant 0 : i32
    %scan3A_1140 = arith.constant 64 : i32
    %scan3A_1141 = arith.addi %scan3A_1139, %scan3A_1140 : i32
    %scan3A_1142 = arith.constant 1 : i32
    scf.for %scan3A_1150 = %scan3A_1139 to %scan3A_1141 step %scan3A_1142  : i32 {
      %add3A_1151 = arith.addi %mul3A_1135, %scan3A_1150 : i32
      %dma_start3A = arith.constant 0 : i32
      %dma_start3A_1152 = arith.constant 0 : i32
      %dma_start3A_1153 = tpu.memref_slice %arg5[%add3A_1151, %mul3A_1137, %dma_start3A, %dma_start3A_1152] : memref<128x48x16x256xf32, #tpu.memory_space<hbm>> -> memref<1x3x16x256xf32, #tpu.memory_space<hbm>>
      %dma_start3A_1154 = tpu.memref_squeeze %dma_start3A_1153 : memref<1x3x16x256xf32, #tpu.memory_space<hbm>> -> memref<3x16x256xf32, #tpu.memory_space<hbm>>
      %dma_start3A_1155 = arith.constant 0 : i32
      %dma_start3A_1156 = arith.constant 0 : i32
      %dma_start3A_1157 = tpu.memref_slice %arg5[%add3A_1151, %mul3A_1137, %dma_start3A_1155, %dma_start3A_1156] : memref<128x48x16x256xf32, #tpu.memory_space<hbm>> -> memref<1x3x16x256xf32, #tpu.memory_space<hbm>>
      %dma_start3A_1158 = tpu.memref_squeeze %dma_start3A_1157 : memref<1x3x16x256xf32, #tpu.memory_space<hbm>> -> memref<3x16x256xf32, #tpu.memory_space<hbm>>
      tpu.enqueue_dma source(%arg9 : memref<3x16x256xf32, #tpu.memory_space<vmem>>) target(%dma_start3A_1158 : memref<3x16x256xf32, #tpu.memory_space<hbm>>) target_semaphore(%arg10 : memref<!tpu.dma_semaphore, #tpu.memory_space<semaphore_mem>>)
      %ge3A = arith.constant 8 : i32
      %ge3A_1159 = arith.cmpi sge, %scan3A_1150, %ge3A : i32
      %convert_element_type3A = arith.extui %ge3A_1159 : i1 to i32
      %cond3A = arith.constant 0 : i32
      %cond3A_1160 = arith.cmpi ne, %convert_element_type3A, %cond3A : i32
      scf.if %cond3A_1160 {
        %add3A_1161 = arith.addi %mul3A_1135, %scan3A_1150 : i32
        %sub3A_1162 = arith.constant 8 : i32
        %sub3A_1163 = arith.subi %add3A_1161, %sub3A_1162 : i32
        %dma_wait3A = arith.constant 0 : i32
        %dma_wait3A_1164 = arith.constant 0 : i32
        %dma_wait3A_1165 = tpu.memref_slice %arg5[%sub3A_1163, %mul3A_1137, %dma_wait3A, %dma_wait3A_1164] : memref<128x48x16x256xf32, #tpu.memory_space<hbm>> -> memref<1x3x16x256xf32, #tpu.memory_space<hbm>>
        %dma_wait3A_1166 = tpu.memref_squeeze %dma_wait3A_1165 : memref<1x3x16x256xf32, #tpu.memory_space<hbm>> -> memref<3x16x256xf32, #tpu.memory_space<hbm>>
        %dma_wait3A_1167 = arith.constant 0 : i32
        %dma_wait3A_1168 = arith.constant 0 : i32
        %dma_wait3A_1169 = tpu.memref_slice %arg5[%sub3A_1163, %mul3A_1137, %dma_wait3A_1167, %dma_wait3A_1168] : memref<128x48x16x256xf32, #tpu.memory_space<hbm>> -> memref<1x3x16x256xf32, #tpu.memory_space<hbm>>
        %dma_wait3A_1170 = tpu.memref_squeeze %dma_wait3A_1169 : memref<1x3x16x256xf32, #tpu.memory_space<hbm>> -> memref<3x16x256xf32, #tpu.memory_space<hbm>>
        tpu.wait_dma2 semaphore(%arg10 : memref<!tpu.dma_semaphore, #tpu.memory_space<semaphore_mem>>) src(%arg9 : memref<3x16x256xf32, #tpu.memory_space<vmem>>) dst(%dma_wait3A_1170 : memref<3x16x256xf32, #tpu.memory_space<hbm>>)
      } else {
      }
    }
    %scan3A_1143 = arith.constant 64 : i32
    %scan3A_1144 = arith.constant 0 : i32
    %scan3A_1145 = arith.constant 56 : i32
    %scan3A_1146 = arith.constant 8 : i32
    %scan3A_1147 = arith.addi %scan3A_1145, %scan3A_1146 : i32
    %scan3A_1148 = arith.constant 1 : i32
    scf.for %scan3A_1150 = %scan3A_1145 to %scan3A_1147 step %scan3A_1148  : i32 {
      %add3A_1151 = arith.addi %mul3A_1135, %scan3A_1150 : i32
      %dma_wait3A = arith.constant 0 : i32
      %dma_wait3A_1152 = arith.constant 0 : i32
      %dma_wait3A_1153 = tpu.memref_slice %arg5[%add3A_1151, %mul3A_1137, %dma_wait3A, %dma_wait3A_1152] : memref<128x48x16x256xf32, #tpu.memory_space<hbm>> -> memref<1x3x16x256xf32, #tpu.memory_space<hbm>>
      %dma_wait3A_1154 = tpu.memref_squeeze %dma_wait3A_1153 : memref<1x3x16x256xf32, #tpu.memory_space<hbm>> -> memref<3x16x256xf32, #tpu.memory_space<hbm>>
      %dma_wait3A_1155 = arith.constant 0 : i32
      %dma_wait3A_1156 = arith.constant 0 : i32
      %dma_wait3A_1157 = tpu.memref_slice %arg5[%add3A_1151, %mul3A_1137, %dma_wait3A_1155, %dma_wait3A_1156] : memref<128x48x16x256xf32, #tpu.memory_space<hbm>> -> memref<1x3x16x256xf32, #tpu.memory_space<hbm>>
      %dma_wait3A_1158 = tpu.memref_squeeze %dma_wait3A_1157 : memref<1x3x16x256xf32, #tpu.memory_space<hbm>> -> memref<3x16x256xf32, #tpu.memory_space<hbm>>
      tpu.wait_dma2 semaphore(%arg10 : memref<!tpu.dma_semaphore, #tpu.memory_space<semaphore_mem>>) src(%arg9 : memref<3x16x256xf32, #tpu.memory_space<vmem>>) dst(%dma_wait3A_1158 : memref<3x16x256xf32, #tpu.memory_space<hbm>>)
    }
    %scan3A_1149 = arith.constant 8 : i32
    return
  }
}

</mosaic_0001>

<sc_bundles>
// kernel: _sc_call.3.cloned.1.call-start
scs
__scs_entry_jumppad:
0x0: {  	(pc) =	sbr.rel $0x88, $3  }
0x1: {  	(tag) =	ssettag $0x0;
	lr =	simm.s32 $0x1  }
0x2: {  	[smem:$0x3F9E] =	sst lr;
	_ =	strace $0xD0000000  }
0x3: {  	_ = 	snop  }
0x4: {  	_ = 	snop  }
0x5: {  	_ = 	snop  }
0x6: {  	_ = 	snop  }
0x7: {  	_ = 	snop  }
__scs_overlays_trampoline_lowered:
0x8: {  	[smem:$0x3FAD] =	sst s0  }
0x9: {  	[smem:$0x3FAE] =	sst s1  }
0xa: {  	[smem:$0x3FAF] =	sst s2  }
0xb: {  	[smem:$0x3FB0] =	sst s3  }
0xc: {  	[smem:$0x3FB1] =	sst s4  }
0xd: {  	[smem:$0x3FB2] =	sst s5  }
0xe: {  	[smem:$0x3FB3] =	sst s6  }
0xf: {  	[smem:$0x3FB4] =	sst s7  }
0x10: {  	[smem:$0x3FB5] =	sst s8  }
0x11: {  	[smem:$0x3FB6] =	sst s9;
	s0 =	simm.s32 @!p0 $0x0  }
0x12: {  	s1 =	sld [smem:$0x3F9C];
	s0 =	simm.s32 @p0 $0x1  }
0x13: {  	[smem:$0x3FB7] =	sst s0;
	s0 =	simm.s32 @!p1 $0x0  }
0x14: {  	s2 =	sld [smem:$0x3F9B];
	s0 =	simm.s32 @p1 $0x1  }
0x15: {  	[smem:$0x3FB8] =	sst s0;
	s0 =	simm.s32 @!p2 $0x0  }
0x16: {  	s3 =	sld [smem:$0x3FDB];
	s0 =	simm.s32 @p2 $0x1  }
0x17: {  	s4 =	simm.s32 $0x1BF5;
	[smem:$0x3FBA] =	sst s0  }
0x18: {  	s0 =	sld [smem:$0x3F9D];
	_ =	swait.ge [sflag:s4], $0x0  }
0x19: {  	s7 =	sld [smem:$0x3F9E]  }
0x1a: {  	s8 =	sadd.s32 $0xFFFFE003, lr  }
0x1b: {  	s9 =	sadd.s32 $0xFFFFFEF7, lr;
	s5 =	simm.s32 $0xFFFFFFFF;
	p2 =	slt.u32 s8, $0xFFFFF086  }
0x1c: {  	p1 =	slt.u32 s9, $0xF7A;
	s5 =	simm.s32 @!p2 $0x0  }
0x1d: {  	s5 =	simm.s32 @p1 $0x1;
	p0 =	seq.s32 s7, s2  }
0x1e: {  	s7 =	smul.u32 @!p0 $0xF7A, s2;
	p2 =	seq.s32 @!p0 s5, $0x0  }
0x1f: {  	s9 =	smul.u32 $0xF7A, s1;
	s8 =	simm.s32 @!p0 $0x1BF5;
	p2 =	por !p2, p0  }
0x20: {  	[sflag:s8] =	ssyncset.s32 @!p0 $0xFFFFF086;
	s6 =	sadd.s32 @!p0 s3, s7;
	s7 =	simm.s32 @!p0 $0x108  }
0x21: {  	s3 =	sadd.s32 s3, s9;
	s6 =	sadd.s32 @!p0 $0x88, s6;
	s7 =	simm.s32 @p2 $0x1082  }
0x22: {  	[simem:s7], [sflag:s8] =	dma.local @!p0 [hbm:s6], $0xF7A  }
0x23: {  	s9 =	sor.u32 $0xD0000000, s2;
	s6 =	simm.s32 $0x108;
	_ =	swait.ge @!p0 [sflag:s8], $0x0  }
0x24: {  	s3 =	sadd.s32 $0x88, s3;
	s6 =	simm.s32 @!p1 $0x1082;
	[sflag:s4] =	ssyncset.s32 $0xFFFFF086  }
0x25: {  	[simem:s6], [sflag:s4] =	dma.local [hbm:s3], $0xF7A  }
0x26: {  	[smem:$0x3F9E] =	sst s1;
	(tag) =	ssettag s2;
	_ =	strace s9  }
0x27: {  	s1 =	sld [smem:$0x3FAE]  }
0x28: {  	s2 =	sld [smem:$0x3FAF]  }
0x29: {  	s4 =	sld [smem:$0x3FB1]  }
0x2a: {  	p0 =	seq.s32 s5, $0x0;
	s5 =	sld [smem:$0x3FB2]  }
0x2b: {  	s6 =	sld [smem:$0x3FB3]  }
0x2c: {  	s7 =	sld [smem:$0x3FB4]  }
0x2d: {  	s3 =	simm.s32 $0x108;
	s8 =	sld [smem:$0x3FB5]  }
0x2e: {  	s3 =	simm.s32 @!p0 $0x1082;
	s9 =	sld [smem:$0x3FB6]  }
0x2f: {  	lr =	sadd.s32 s0, s3;
	s0 =	sld [smem:$0x3FAD]  }
0x30: {  	s3 =	sld [smem:$0x3FB0]  }
0x31: {  	[smem:$0x3FB9] =	sst s10  }
0x32: {  	s10 =	sld [smem:$0x3FB7];
	_ =	sdelay $0x3  }
0x33: {  	p0 =	seq.s32 s10, $0x1;
	s10 =	sld [smem:$0x3FB9];
	_ =	sdelay $0x3  }
0x34: {  	[smem:$0x3FB9] =	sst s10  }
0x35: {  	s10 =	sld [smem:$0x3FB8];
	_ =	sdelay $0x3  }
0x36: {  	p1 =	seq.s32 s10, $0x1;
	s10 =	sld [smem:$0x3FB9];
	_ =	sdelay $0x3  }
0x37: {  	[smem:$0x3FB9] =	sst s10  }
0x38: {  	s10 =	sld [smem:$0x3FBA]  }
0x39: {  	_ = 	snop;
	(pc) =	sbr.ind lr, $3  }
0x3a: {  	_ = 	snop  }
0x3b: {  	_ = 	snop  }
0x3c: {  	p2 =	seq.s32 s10, $0x1;
	s10 =	sld [smem:$0x3FB9]  }
0x3d: {  	_ =	shalt  }
0x3e: {  	_ =	shalt  }
0x3f: {  	_ =	shalt  }
0x40: {  	_ =	shalt  }
0x41: {  	_ =	shalt  }
0x42: {  	_ =	shalt  }
0x43: {  	_ =	shalt  }
0x44: {  	_ =	shalt  }
0x45: {  	_ =	shalt  }
0x46: {  	_ =	shalt  }
0x47: {  	_ =	shalt  }
0x48: {  	_ =	shalt  }
0x49: {  	_ =	shalt  }
0x4a: {  	_ =	shalt  }
0x4b: {  	_ =	shalt  }
0x4c: {  	_ =	shalt  }
0x4d: {  	_ =	shalt  }
0x4e: {  	_ =	shalt  }
0x4f: {  	_ =	shalt  }
0x50: {  	_ =	shalt  }
0x51: {  	_ =	shalt  }
0x52: {  	_ =	shalt  }
0x53: {  	_ =	shalt  }
0x54: {  	_ =	shalt  }
0x55: {  	_ =	shalt  }
0x56: {  	_ =	shalt  }
0x57: {  	_ =	shalt  }
0x58: {  	_ =	shalt  }
0x59: {  	_ =	shalt  }
0x5a: {  	_ =	shalt  }
0x5b: {  	_ =	shalt  }
0x5c: {  	_ =	shalt  }
0x5d: {  	_ =	shalt  }
0x5e: {  	_ =	shalt  }
0x5f: {  	_ =	shalt  }
0x60: {  	_ =	shalt  }
0x61: {  	_ =	shalt  }
0x62: {  	_ =	shalt  }
0x63: {  	_ =	shalt  }
0x64: {  	_ =	shalt  }
0x65: {  	_ =	shalt  }
0x66: {  	_ =	shalt  }
0x67: {  	_ =	shalt  }
0x68: {  	_ =	shalt  }
0x69: {  	_ =	shalt  }
0x6a: {  	_ =	shalt  }
0x6b: {  	_ =	shalt  }
0x6c: {  	_ =	shalt  }
0x6d: {  	_ =	shalt  }
0x6e: {  	_ =	shalt  }
0x6f: {  	_ =	shalt  }
0x70: {  	_ =	shalt  }
0x71: {  	_ =	shalt  }
0x72: {  	_ =	shalt  }
0x73: {  	_ =	shalt  }
0x74: {  	_ =	shalt  }
0x75: {  	_ =	shalt  }
0x76: {  	_ =	shalt  }
0x77: {  	_ =	shalt  }
0x78: {  	_ =	shalt  }
0x79: {  	_ =	shalt  }
0x7a: {  	_ =	shalt  }
0x7b: {  	_ =	shalt  }
0x7c: {  	_ =	shalt  }
0x7d: {  	_ =	shalt  }
0x7e: {  	_ =	shalt  }
0x7f: {  	_ =	shalt  }
0x80: {  	_ =	shalt  }
0x81: {  	_ =	shalt  }
0x82: {  	_ =	shalt  }
0x83: {  	_ =	shalt  }
0x84: {  	_ =	shalt  }
0x85: {  	_ =	shalt  }
0x86: {  	_ =	shalt  }
0x87: {  	_ =	shalt  }
.Lfunc_end0:
.L_simem_size_0:
called_computation_lowered:
.L_overlay_start_0:
0x88: {  	s2 =	sld [smem:$0x3FD9]  }
0x89: {  	s3 =	sld [smem:$0x3FFE];
	_ =	sdelay $0x1  }
0x8a: {  	s1 =	srdreg.scid  }
0x8b: {  	s0 =	sand.u32 $0x1, s1  }
0x8c: {  	s18 =	sshll.u32 s0, $0xA;
	s2 =	sadd.s32 s3, s2  }
0x8d: {  	s2 =	sadd.s32 s2, s18  }
0x8e: {  	[smem:$0x3FC5] =	sst s2  }
0x8f: {  	_ = 	snop  }
0x90: {  	s2 =	sld [smem:$0x3FC9]  }
0x91: {  	s19 =	sld [smem:$0x3FC8]  }
0x92: {  	s4 =	sld [smem:$0x3FC7]  }
0x93: {  	s5 =	sld [smem:$0x3FD0];
	(tm) =	ssettm $0x1  }
0x94: {  	s6 =	sld [smem:$0x3FFB];
	_ =	sdelay $0x3  }
0x95: {  	_ =	strace s6  }
0x96: {  	s6 =	sld [smem:$0x3FFC];
	_ =	sdelay $0x3  }
0x97: {  	_ =	strace s6  }
0x98: {  	s6 =	sld [smem:$0x3FFD];
	_ =	sdelay $0x3  }
0x99: {  	_ =	strace s6  }
0x9a: {  	_ =	strace $0x8FFFFFFF  }
0x9b: {  	s20 =	sld [smem:$0x3FDB];
	_ =	sdelay $0x1  }
0x9c: {  	s7 =	simm.s32 $_scs_section_size  }
0x9d: {  	s8 =	simm.s32 $_size__tile_overlayer_lowered;
	s9 =	simm.s32 $_tile_overlayer_lowered  }
0x9e: {  	s23 =	simm.s32 $0x1BFF;
	s22 =	sshll.u32 s9, $0x1;
	s6 =	sadd.s32 s7, s20  }
0x9f: {  	s10 =	simm.s32 $0x0;
	s21 =	sshll.u32 s8, $0x1;
	s8 =	sadd.s32 s22, s6  }
0xa0: {  	[timem:s10], [sflag:s23] =	dma.local [hbm:s8], s21  }
0xa1: {  	_ =	swait.ge [sflag:s23], s21  }
0xa2: {  	s7 =	ssub.s32 $0x0, s21;
	[sflag:s23] =	ssyncset.done $0x0  }
0xa3: {  	[sflag:s23] =	ssyncadd.s32 s7;
	_ =	sdelay $0x1  }
0xa4: {  	s24 =	simm.s32 $0x1B8B  }
0xa5: {  	_ =	swait.ge [sflag:s24], $0x1  }
0xa6: {  	[sflag:s24] =	ssyncset.done $0x0  }
0xa7: {  	s25 =	simm.s32 $0x1B8E;
	[sflag:s24] =	ssyncadd.s32 $0xFFFFFFFF  }
0xa8: {  	s26 =	simm.s32 $execute0_lowered;
	[smem:$0x3FD2] =	sst s25  }
0xa9: {  	s7 =	sshll.u32 s26, $0x1;
	_ =	strace $0x80000046;
	[dreg:$0x1] =	wrdreg $0xFFFFFFFF  }
0xaa: {  	s28 =	simm.s32 $_size_execute0_lowered;
	s6 =	sadd.s32 s6, s7;
	[dreg:$0x0] =	wrdreg $0x0  }
0xab: {  	s7 =	sshll.u32 s28, $0x1;
	[dreg:$0x2] =	wrdreg s6  }
0xac: {  	[dreg:$0x3] =	wrdreg s7  }
0xad: {  	[dreg:$0x4] =	wrdreg $0xC0  }
0xae: {  	_ =	task [dreg:s10], $0x5FFFF  }
0xaf: {  	[dreg:$0x1] =	wrdreg $0xFFFFFFFF  }
0xb0: {  	[dreg:$0x0] =	wrdreg $0x60  }
0xb1: {  	[dreg:$0x2] =	wrdreg s2  }
0xb2: {  	[dreg:$0x3] =	wrdreg s19  }
0xb3: {  	[dreg:$0x4] =	wrdreg s4  }
0xb4: {  	[dreg:$0x5] =	wrdreg s5  }
0xb5: {  	[dreg:$0x6] =	wrdreg $0x9  }
0xb6: {  	_ =	task.clear_ibuf [dreg:s10], $0x7FFFF;
	_ =	strace $0x90000046  }
0xb7: {  	s29 =	simm.s32 $0x9;
	_ =	strace $0x80000048  }
0xb8: {  	_ =	swait.ge [sflag:s29], $0x1  }
0xb9: {  	[sflag:s29] =	ssyncadd.s32 $0xFFFFFFFF  }
0xba: {  	_ =	strace $0x90000048  }
0xbb: {  	_ =	sfence  }
0xbc: {  	s30 =	sld [smem:$0x0];
	_ =	sdelay $0x2  }
0xbd: {  	s31 =	sshll.u32 s1, $0xD;
	s1 =	sshrl.u32 s1, $0x2  }
0xbe: {  	s3 =	sand.u32 $0x4000, s31;
	s1 =	sadd.s32 s1, s30  }
0xbf: {  	s0 =	sor.u32 s3, s0;
	s1 =	sshll.u32 s1, $0x11  }
0xc0: {  	s0 =	sor.u32 s1, s0  }
0xc1: {  	s0 =	sadd.s32 $0x8F2B, s0  }
0xc2: {  	[sflag:s0] =	ssyncadd.remote.s32 $0x1  }
0xc3: {  	_ =	sfence.sel $0xFFFF  }
0xc4: {  	[dreg:$0x0] =	wrdreg $0xFFFFFFFF;
	(pc) =	sbr.abs _section_cstart, $3  }
0xc5: {  	[dreg:$0x1] =	wrdreg $0xFFFFFFFF  }
0xc6: {  	_ =	task.clear_ibuf [dreg:s10], $0x2FFFF;
	_ =	strace $0x9FFFFFFF  }
0xc7: {  	(tm) =	ssettm $0x7FFFFFFF  }
tec
execute0_lowered:
.L_overlay_start_1:
0x0: {  	(tag) =	ssettag $0x1  }
0x1: {  	s0 =	stileid.u32  }
0x2: {  	s2 =	smul.u32 $0x3, s0;
	_ =	sdelay $0x1  }
0x3: {  	v38 =	vlaneseq.u32;
	s1 =	smax.u32 s2, $0x10;
	s3 =	smax.u32 s2, $0x20;
	s4 =	smin.u32 s2, $0xF  }
0x4: {  	v37 =	vmul.u32 $0x10, v38;
	s20 =	sadd.s32 $0x1, s2;
	s21 =	smax.u32 s2, $0xF;
	s22 =	smax.u32 s2, $0x1F  }
0x5: {  	v54 =	vmov s2;
	s25 =	smax.u32 s2, $0xE;
	s26 =	smax.u32 s2, $0x1E;
	s2 =	sadd.s32 $0x2, s2;
	v0 =	vmov s4;
	v55 =	vmov s20  }
0x6: {  	v56 =	vmov s2;
	vm4 =	vlt.u32 v54, $0x20;
	vm5 =	vlt.u32 v54, $0x10  }
0x7: {  	v3 =	vor.u32 $0x10, v0;
	v4 =	vor.u32 $0x20, v0;
	v5 =	vor.u32 $0x30, v0  }
0x8: {  	v6 =	vor.u32 $0x40, v0;
	v7 =	vor.u32 $0x50, v0;
	v8 =	vor.u32 $0x60, v0  }
0x9: {  	v9 =	vor.u32 $0x70, v0;
	v10 =	vor.u32 $0x80, v0;
	v11 =	vor.u32 $0x90, v0  }
0xa: {  	v12 =	vor.u32 $0xA0, v0;
	v13 =	vor.u32 $0xB0, v0;
	v14 =	vor.u32 $0xC0, v0  }
0xb: {  	s5 =	smin.u32 s20, $0xF;
	s28 =	smin.u32 s2, $0xF;
	v15 =	vor.u32 $0xD0, v0;
	v16 =	vor.u32 $0xE0, v0;
	v17 =	vor.u32 $0xF0, v0  }
0xc: {  	s1 =	smin.u32 s1, $0x1F;
	s3 =	sshll.u32 s3, $0x4;
	s4 =	sshll.u32 s22, $0x4;
	v18 =	vmov s5;
	v36 =	vmov s28;
	vm0 =	vlt.u32 v56, $0x20  }
0xd: {  	s1 =	sadd.s32 $0xFFFFFFF0, s1;
	s19 =	sadd.s32 $0xFFFFFE00, s3;
	s24 =	sadd.s32 $0xFFFFFE10, s4;
	vm1 =	vlt.u32 v56, $0x10;
	vm2 =	vlt.u32 v55, $0x20;
	vm3 =	vlt.u32 v55, $0x10  }
0xe: {  	v1 =	vor.u32 s1, v37;
	v2 =	vor.u32 s19, v38;
	v20 =	vor.u32 s24, v38  }
0xf: {  	s6 =	srdreg.scid;
	v21 =	vor.u32 $0x10, v18;
	v22 =	vor.u32 $0x20, v18;
	v23 =	vor.u32 $0x30, v18  }
0x10: {  	s29 =	sand.u32 $0x1, s6;
	s30 =	smul.u32 $0x3000, s0;
	v24 =	vor.u32 $0x40, v18;
	v25 =	vor.u32 $0x50, v18;
	v26 =	vor.u32 $0x60, v18  }
0x11: {  	s7 =	rddreg [dreg:$0x3];
	s8 =	ssub.s32 $0x2, s29;
	s9 =	smul.u32 $0xC00000, s29;
	v27 =	vor.u32 $0x70, v18;
	v28 =	vor.u32 $0x80, v18;
	v29 =	vor.u32 $0x90, v18  }
0x12: {  	s11 =	simm.s32 $0x1;
	s12 =	simm.s32 $0x0;
	s10 =	sshrl.u32 s8, $0x1;
	v30 =	vor.u32 $0xA0, v18;
	v31 =	vor.u32 $0xB0, v18;
	v32 =	vor.u32 $0xC0, v18  }
0x13: {  	s2 =	rddreg [dreg:$0x1];
	s8 =	ssub.s32 s8, s10;
	s9 =	sor.u32 s30, s9;
	v33 =	vor.u32 $0xD0, v18;
	v34 =	vor.u32 $0xE0, v18;
	v35 =	vor.u32 $0xF0, v18  }
0x14: {  	s10 =	simm.s32 $0x300;
	s3 =	smin.u32 s21, $0x1E;
	s4 =	sshll.u32 s26, $0x4;
	v39 =	vor.u32 $0x10, v36;
	v40 =	vor.u32 $0x20, v36;
	v41 =	vor.u32 $0x30, v36  }
0x15: {  	s5 =	simm.s32 $0x0;
	s6 =	smax.u32 s8, $0x1;
	s31 =	sshrl.u32 s9, $0x3;
	v42 =	vor.u32 $0x40, v36;
	v43 =	vor.u32 $0x50, v36;
	v44 =	vor.u32 $0x60, v36  }
0x16: {  	s8 =	simm.s32 $0x2;
	s23 =	sadd.s32 $0xFFFFFFF1, s3;
	s1 =	rddreg [dreg:$0x0];
	v45 =	vor.u32 $0x70, v36;
	v46 =	vor.u32 $0x80, v36;
	v47 =	vor.u32 $0x90, v36  }
0x17: {  	s3 =	smin.u32 s25, $0x1D;
	s4 =	sadd.s32 $0xFFFFFE20, s4;
	[smem:$0x7FF] =	sst s5;
	v48 =	vor.u32 $0xA0, v36;
	v49 =	vor.u32 $0xB0, v36;
	v50 =	vor.u32 $0xC0, v36  }
0x18: {  	s9 =	simm.s32 $0x200;
	v51 =	vor.u32 $0xD0, v36;
	v52 =	vor.u32 $0xE0, v36;
	s3 =	sadd.s32 $0xFFFFFFF2, s3;
	v38 =	vor.u32 s4, v38;
	s4 =	rddreg [dreg:$0x4]  }
0x19: {  	v53 =	vor.u32 $0xF0, v36;
	s7 =	sadd.s32 s31, s7;
	v19 =	vor.u32 s23, v37;
	v37 =	vor.u32 s3, v37;
	s3 =	rddreg [dreg:$0x2];
	_ =	strace $0x80000047  }
.LBB2_1:
0x1a: {  	[tilespmem:s5], [sflag:$0x2] =	stream.linear.gather [hbm4b:s1+s5], $0x100, $0x38;
	[tilespmem:$0x3300] =	vst v63  }
0x1b: {  	_ =	swait.ge [sflag:s8], $0x100  }
0x1c: {  	[sflag:s8] =	ssyncset.done $0x0  }
0x1d: {  	s14 =	simm.s32 $0x100;
	[sflag:s8] =	ssyncadd.s32 $0xFFFFFF00  }
0x1e: {  	[tilespmem:s14], [sflag:$0x2] =	stream.linear.gather [hbm4b:s2+s5], $0x100, $0x38;
	[tilespmem:$0x3300] =	vst v63  }
0x1f: {  	_ =	swait.ge [sflag:s8], $0x100  }
0x20: {  	[sflag:s8] =	ssyncset.done $0x0  }
0x21: {  	[sflag:s8] =	ssyncadd.s32 $0xFFFFFF00  }
0x22: {  	[tilespmem:s9], [sflag:$0x2] =	stream.linear.gather [hbm4b:s3+s5], $0x100, $0x38;
	[tilespmem:$0x3300] =	vst v63  }
0x23: {  	_ =	swait.ge [sflag:s8], $0x100  }
0x24: {  	[sflag:s8] =	ssyncset.done $0x0  }
0x25: {  	[sflag:s8] =	ssyncadd.s32 $0xFFFFFF00  }
0x26: {  	v54 =	vld.idx.msk [tilespmem:v1+s14+$0x0], $0xffff  }
0x27: {  	v55 =	vld.idx.msk [tilespmem:v2+s9+$0x0], $0xffff  }
0x28: {  	v56 =	vld.idx.msk [tilespmem:v0+s5+$0x0], $0xffff;
	_ =	sdelay $0x3  }
0x29: {  	v54 =	vsel vm4, v54, v55  }
0x2a: {  	v54 =	vsel vm5, v56, v54  }
0x2b: {  	[tilespmem:$0x300] =	vst v54  }
0x2c: {  	v54 =	vld.idx.msk [tilespmem:v1+s14+$0x0], $0xffff  }
0x2d: {  	v61 =	vld.idx.msk [tilespmem:v2+s9+$0x0], $0xffff  }
0x2e: {  	v62 =	vld.idx.msk [tilespmem:v3+s5+$0x0], $0xffff;
	_ =	sdelay $0x3  }
0x2f: {  	v54 =	vsel vm4, v54, v61  }
0x30: {  	v54 =	vsel vm5, v62, v54  }
0x31: {  	[tilespmem:$0x310] =	vst v54  }
0x32: {  	v54 =	vld.idx.msk [tilespmem:v1+s14+$0x0], $0xffff  }
0x33: {  	v63 =	vld.idx.msk [tilespmem:v2+s9+$0x0], $0xffff  }
0x34: {  	v60 =	vld.idx.msk [tilespmem:v4+s5+$0x0], $0xffff;
	_ =	sdelay $0x3  }
0x35: {  	v54 =	vsel vm4, v54, v63  }
0x36: {  	v54 =	vsel vm5, v60, v54  }
0x37: {  	[tilespmem:$0x320] =	vst v54  }
0x38: {  	v54 =	vld.idx.msk [tilespmem:v1+s14+$0x0], $0xffff  }
0x39: {  	v61 =	vld.idx.msk [tilespmem:v2+s9+$0x0], $0xffff  }
0x3a: {  	v62 =	vld.idx.msk [tilespmem:v5+s5+$0x0], $0xffff;
	_ =	sdelay $0x3  }
0x3b: {  	v54 =	vsel vm4, v54, v61  }
0x3c: {  	v54 =	vsel vm5, v62, v54  }
0x3d: {  	[tilespmem:$0x330] =	vst v54  }
0x3e: {  	v54 =	vld.idx.msk [tilespmem:v1+s14+$0x0], $0xffff  }
0x3f: {  	v63 =	vld.idx.msk [tilespmem:v2+s9+$0x0], $0xffff  }
0x40: {  	v60 =	vld.idx.msk [tilespmem:v6+s5+$0x0], $0xffff;
	_ =	sdelay $0x3  }
0x41: {  	v54 =	vsel vm4, v54, v63  }
0x42: {  	v54 =	vsel vm5, v60, v54  }
0x43: {  	[tilespmem:$0x340] =	vst v54  }
0x44: {  	v54 =	vld.idx.msk [tilespmem:v1+s14+$0x0], $0xffff  }
0x45: {  	v61 =	vld.idx.msk [tilespmem:v2+s9+$0x0], $0xffff  }
0x46: {  	v62 =	vld.idx.msk [tilespmem:v7+s5+$0x0], $0xffff;
	_ =	sdelay $0x3  }
0x47: {  	v54 =	vsel vm4, v54, v61  }
0x48: {  	v54 =	vsel vm5, v62, v54  }
0x49: {  	[tilespmem:$0x350] =	vst v54  }
0x4a: {  	v54 =	vld.idx.msk [tilespmem:v1+s14+$0x0], $0xffff  }
0x4b: {  	v63 =	vld.idx.msk [tilespmem:v2+s9+$0x0], $0xffff  }
0x4c: {  	v60 =	vld.idx.msk [tilespmem:v8+s5+$0x0], $0xffff;
	_ =	sdelay $0x3  }
0x4d: {  	v54 =	vsel vm4, v54, v63  }
0x4e: {  	v54 =	vsel vm5, v60, v54  }
0x4f: {  	[tilespmem:$0x360] =	vst v54  }
0x50: {  	v54 =	vld.idx.msk [tilespmem:v1+s14+$0x0], $0xffff  }
0x51: {  	v61 =	vld.idx.msk [tilespmem:v2+s9+$0x0], $0xffff  }
0x52: {  	v62 =	vld.idx.msk [tilespmem:v9+s5+$0x0], $0xffff;
	_ =	sdelay $0x3  }
0x53: {  	v54 =	vsel vm4, v54, v61  }
0x54: {  	v54 =	vsel vm5, v62, v54  }
0x55: {  	[tilespmem:$0x370] =	vst v54  }
0x56: {  	v54 =	vld.idx.msk [tilespmem:v1+s14+$0x0], $0xffff  }
0x57: {  	v63 =	vld.idx.msk [tilespmem:v2+s9+$0x0], $0xffff  }
0x58: {  	v60 =	vld.idx.msk [tilespmem:v10+s5+$0x0], $0xffff;
	_ =	sdelay $0x3  }
0x59: {  	v54 =	vsel vm4, v54, v63  }
0x5a: {  	v54 =	vsel vm5, v60, v54  }
0x5b: {  	[tilespmem:$0x700] =	vst v54  }
0x5c: {  	v54 =	vld.idx.msk [tilespmem:v1+s14+$0x0], $0xffff  }
0x5d: {  	v61 =	vld.idx.msk [tilespmem:v2+s9+$0x0], $0xffff  }
0x5e: {  	v62 =	vld.idx.msk [tilespmem:v11+s5+$0x0], $0xffff;
	_ =	sdelay $0x3  }
0x5f: {  	v54 =	vsel vm4, v54, v61  }
0x60: {  	v54 =	vsel vm5, v62, v54  }
0x61: {  	[tilespmem:$0x710] =	vst v54  }
0x62: {  	v54 =	vld.idx.msk [tilespmem:v1+s14+$0x0], $0xffff  }
0x63: {  	v63 =	vld.idx.msk [tilespmem:v2+s9+$0x0], $0xffff  }
0x64: {  	v60 =	vld.idx.msk [tilespmem:v12+s5+$0x0], $0xffff;
	_ =	sdelay $0x3  }
0x65: {  	v54 =	vsel vm4, v54, v63  }
0x66: {  	v54 =	vsel vm5, v60, v54  }
0x67: {  	[tilespmem:$0x720] =	vst v54  }
0x68: {  	v54 =	vld.idx.msk [tilespmem:v1+s14+$0x0], $0xffff  }
0x69: {  	v61 =	vld.idx.msk [tilespmem:v2+s9+$0x0], $0xffff  }
0x6a: {  	v62 =	vld.idx.msk [tilespmem:v13+s5+$0x0], $0xffff;
	_ =	sdelay $0x3  }
0x6b: {  	v54 =	vsel vm4, v54, v61  }
0x6c: {  	v54 =	vsel vm5, v62, v54  }
0x6d: {  	[tilespmem:$0x730] =	vst v54  }
0x6e: {  	v54 =	vld.idx.msk [tilespmem:v1+s14+$0x0], $0xffff  }
0x6f: {  	v63 =	vld.idx.msk [tilespmem:v2+s9+$0x0], $0xffff  }
0x70: {  	v60 =	vld.idx.msk [tilespmem:v14+s5+$0x0], $0xffff;
	_ =	sdelay $0x3  }
0x71: {  	v54 =	vsel vm4, v54, v63  }
0x72: {  	v54 =	vsel vm5, v60, v54  }
0x73: {  	[tilespmem:$0x740] =	vst v54  }
0x74: {  	v54 =	vld.idx.msk [tilespmem:v1+s14+$0x0], $0xffff  }
0x75: {  	v61 =	vld.idx.msk [tilespmem:v2+s9+$0x0], $0xffff  }
0x76: {  	v62 =	vld.idx.msk [tilespmem:v15+s5+$0x0], $0xffff;
	_ =	sdelay $0x3  }
0x77: {  	v54 =	vsel vm4, v54, v61  }
0x78: {  	v54 =	vsel vm5, v62, v54  }
0x79: {  	[tilespmem:$0x750] =	vst v54  }
0x7a: {  	v54 =	vld.idx.msk [tilespmem:v1+s14+$0x0], $0xffff  }
0x7b: {  	v63 =	vld.idx.msk [tilespmem:v2+s9+$0x0], $0xffff  }
0x7c: {  	v60 =	vld.idx.msk [tilespmem:v16+s5+$0x0], $0xffff;
	_ =	sdelay $0x3  }
0x7d: {  	v54 =	vsel vm4, v54, v63  }
0x7e: {  	v54 =	vsel vm5, v60, v54  }
0x7f: {  	[tilespmem:$0x760] =	vst v54  }
0x80: {  	v54 =	vld.idx.msk [tilespmem:v1+s14+$0x0], $0xffff  }
0x81: {  	v61 =	vld.idx.msk [tilespmem:v2+s9+$0x0], $0xffff  }
0x82: {  	v62 =	vld.idx.msk [tilespmem:v17+s5+$0x0], $0xffff;
	_ =	sdelay $0x3  }
0x83: {  	v54 =	vsel vm4, v54, v61  }
0x84: {  	v54 =	vsel vm5, v62, v54  }
0x85: {  	[tilespmem:$0x770] =	vst v54  }
0x86: {  	v54 =	vld.idx.msk [tilespmem:v19+s14+$0x0], $0xffff  }
0x87: {  	v63 =	vld.idx.msk [tilespmem:v20+s9+$0x0], $0xffff  }
0x88: {  	v60 =	vld.idx.msk [tilespmem:v18+s5+$0x0], $0xffff;
	_ =	sdelay $0x3  }
0x89: {  	v54 =	vsel vm2, v54, v63  }
0x8a: {  	v54 =	vsel vm3, v60, v54  }
0x8b: {  	[tilespmem:$0x1300] =	vst v54  }
0x8c: {  	v54 =	vld.idx.msk [tilespmem:v19+s14+$0x0], $0xffff  }
0x8d: {  	v61 =	vld.idx.msk [tilespmem:v20+s9+$0x0], $0xffff  }
0x8e: {  	v62 =	vld.idx.msk [tilespmem:v21+s5+$0x0], $0xffff;
	_ =	sdelay $0x3  }
0x8f: {  	v54 =	vsel vm2, v54, v61  }
0x90: {  	v54 =	vsel vm3, v62, v54  }
0x91: {  	[tilespmem:$0x1310] =	vst v54  }
0x92: {  	v54 =	vld.idx.msk [tilespmem:v19+s14+$0x0], $0xffff  }
0x93: {  	v63 =	vld.idx.msk [tilespmem:v20+s9+$0x0], $0xffff  }
0x94: {  	v60 =	vld.idx.msk [tilespmem:v22+s5+$0x0], $0xffff;
	_ =	sdelay $0x3  }
0x95: {  	v54 =	vsel vm2, v54, v63  }
0x96: {  	v54 =	vsel vm3, v60, v54  }
0x97: {  	[tilespmem:$0x1320] =	vst v54  }
0x98: {  	v54 =	vld.idx.msk [tilespmem:v19+s14+$0x0], $0xffff  }
0x99: {  	v61 =	vld.idx.msk [tilespmem:v20+s9+$0x0], $0xffff  }
0x9a: {  	v62 =	vld.idx.msk [tilespmem:v23+s5+$0x0], $0xffff;
	_ =	sdelay $0x3  }
0x9b: {  	v54 =	vsel vm2, v54, v61  }
0x9c: {  	v54 =	vsel vm3, v62, v54  }
0x9d: {  	[tilespmem:$0x1330] =	vst v54  }
0x9e: {  	v54 =	vld.idx.msk [tilespmem:v19+s14+$0x0], $0xffff  }
0x9f: {  	v63 =	vld.idx.msk [tilespmem:v20+s9+$0x0], $0xffff  }
0xa0: {  	v60 =	vld.idx.msk [tilespmem:v24+s5+$0x0], $0xffff;
	_ =	sdelay $0x3  }
0xa1: {  	v54 =	vsel vm2, v54, v63  }
0xa2: {  	v54 =	vsel vm3, v60, v54  }
0xa3: {  	[tilespmem:$0x1340] =	vst v54  }
0xa4: {  	v54 =	vld.idx.msk [tilespmem:v19+s14+$0x0], $0xffff  }
0xa5: {  	v61 =	vld.idx.msk [tilespmem:v20+s9+$0x0], $0xffff  }
0xa6: {  	v62 =	vld.idx.msk [tilespmem:v25+s5+$0x0], $0xffff;
	_ =	sdelay $0x3  }
0xa7: {  	v54 =	vsel vm2, v54, v61  }
0xa8: {  	v54 =	vsel vm3, v62, v54  }
0xa9: {  	[tilespmem:$0x1350] =	vst v54  }
0xaa: {  	v54 =	vld.idx.msk [tilespmem:v19+s14+$0x0], $0xffff  }
0xab: {  	v63 =	vld.idx.msk [tilespmem:v20+s9+$0x0], $0xffff  }
0xac: {  	v60 =	vld.idx.msk [tilespmem:v26+s5+$0x0], $0xffff;
	_ =	sdelay $0x3  }
0xad: {  	v54 =	vsel vm2, v54, v63  }
0xae: {  	v54 =	vsel vm3, v60, v54  }
0xaf: {  	[tilespmem:$0x1360] =	vst v54  }
0xb0: {  	v54 =	vld.idx.msk [tilespmem:v19+s14+$0x0], $0xffff  }
0xb1: {  	v61 =	vld.idx.msk [tilespmem:v20+s9+$0x0], $0xffff  }
0xb2: {  	v62 =	vld.idx.msk [tilespmem:v27+s5+$0x0], $0xffff;
	_ =	sdelay $0x3  }
0xb3: {  	v54 =	vsel vm2, v54, v61  }
0xb4: {  	v54 =	vsel vm3, v62, v54  }
0xb5: {  	[tilespmem:$0x1370] =	vst v54  }
0xb6: {  	v54 =	vld.idx.msk [tilespmem:v19+s14+$0x0], $0xffff  }
0xb7: {  	v63 =	vld.idx.msk [tilespmem:v20+s9+$0x0], $0xffff  }
0xb8: {  	v60 =	vld.idx.msk [tilespmem:v28+s5+$0x0], $0xffff;
	_ =	sdelay $0x3  }
0xb9: {  	v54 =	vsel vm2, v54, v63  }
0xba: {  	v54 =	vsel vm3, v60, v54  }
0xbb: {  	[tilespmem:$0x1700] =	vst v54  }
0xbc: {  	v54 =	vld.idx.msk [tilespmem:v19+s14+$0x0], $0xffff  }
0xbd: {  	v61 =	vld.idx.msk [tilespmem:v20+s9+$0x0], $0xffff  }
0xbe: {  	v62 =	vld.idx.msk [tilespmem:v29+s5+$0x0], $0xffff;
	_ =	sdelay $0x3  }
0xbf: {  	v54 =	vsel vm2, v54, v61  }
0xc0: {  	v54 =	vsel vm3, v62, v54  }
0xc1: {  	[tilespmem:$0x1710] =	vst v54  }
0xc2: {  	v54 =	vld.idx.msk [tilespmem:v19+s14+$0x0], $0xffff  }
0xc3: {  	v63 =	vld.idx.msk [tilespmem:v20+s9+$0x0], $0xffff  }
0xc4: {  	v60 =	vld.idx.msk [tilespmem:v30+s5+$0x0], $0xffff;
	_ =	sdelay $0x3  }
0xc5: {  	v54 =	vsel vm2, v54, v63  }
0xc6: {  	v54 =	vsel vm3, v60, v54  }
0xc7: {  	[tilespmem:$0x1720] =	vst v54  }
0xc8: {  	v54 =	vld.idx.msk [tilespmem:v19+s14+$0x0], $0xffff  }
0xc9: {  	v61 =	vld.idx.msk [tilespmem:v20+s9+$0x0], $0xffff  }
0xca: {  	v62 =	vld.idx.msk [tilespmem:v31+s5+$0x0], $0xffff;
	_ =	sdelay $0x3  }
0xcb: {  	v54 =	vsel vm2, v54, v61  }
0xcc: {  	v54 =	vsel vm3, v62, v54  }
0xcd: {  	[tilespmem:$0x1730] =	vst v54  }
0xce: {  	v54 =	vld.idx.msk [tilespmem:v19+s14+$0x0], $0xffff  }
0xcf: {  	v63 =	vld.idx.msk [tilespmem:v20+s9+$0x0], $0xffff  }
0xd0: {  	v60 =	vld.idx.msk [tilespmem:v32+s5+$0x0], $0xffff;
	_ =	sdelay $0x3  }
0xd1: {  	v54 =	vsel vm2, v54, v63  }
0xd2: {  	v54 =	vsel vm3, v60, v54  }
0xd3: {  	[tilespmem:$0x1740] =	vst v54  }
0xd4: {  	v54 =	vld.idx.msk [tilespmem:v19+s14+$0x0], $0xffff  }
0xd5: {  	v61 =	vld.idx.msk [tilespmem:v20+s9+$0x0], $0xffff  }
0xd6: {  	v62 =	vld.idx.msk [tilespmem:v33+s5+$0x0], $0xffff;
	_ =	sdelay $0x3  }
0xd7: {  	v54 =	vsel vm2, v54, v61  }
0xd8: {  	v54 =	vsel vm3, v62, v54  }
0xd9: {  	[tilespmem:$0x1750] =	vst v54  }
0xda: {  	v54 =	vld.idx.msk [tilespmem:v19+s14+$0x0], $0xffff  }
0xdb: {  	v63 =	vld.idx.msk [tilespmem:v20+s9+$0x0], $0xffff  }
0xdc: {  	v60 =	vld.idx.msk [tilespmem:v34+s5+$0x0], $0xffff;
	_ =	sdelay $0x3  }
0xdd: {  	v54 =	vsel vm2, v54, v63  }
0xde: {  	v54 =	vsel vm3, v60, v54  }
0xdf: {  	[tilespmem:$0x1760] =	vst v54  }
0xe0: {  	v54 =	vld.idx.msk [tilespmem:v19+s14+$0x0], $0xffff  }
0xe1: {  	v61 =	vld.idx.msk [tilespmem:v20+s9+$0x0], $0xffff  }
0xe2: {  	v62 =	vld.idx.msk [tilespmem:v35+s5+$0x0], $0xffff;
	_ =	sdelay $0x3  }
0xe3: {  	v54 =	vsel vm2, v54, v61  }
0xe4: {  	v54 =	vsel vm3, v62, v54  }
0xe5: {  	[tilespmem:$0x1770] =	vst v54  }
0xe6: {  	v54 =	vld.idx.msk [tilespmem:v37+s14+$0x0], $0xffff  }
0xe7: {  	v63 =	vld.idx.msk [tilespmem:v38+s9+$0x0], $0xffff  }
0xe8: {  	v60 =	vld.idx.msk [tilespmem:v36+s5+$0x0], $0xffff;
	_ =	sdelay $0x3  }
0xe9: {  	v54 =	vsel vm0, v54, v63  }
0xea: {  	v54 =	vsel vm1, v60, v54  }
0xeb: {  	[tilespmem:$0x2300] =	vst v54  }
0xec: {  	v54 =	vld.idx.msk [tilespmem:v37+s14+$0x0], $0xffff  }
0xed: {  	v61 =	vld.idx.msk [tilespmem:v38+s9+$0x0], $0xffff  }
0xee: {  	v62 =	vld.idx.msk [tilespmem:v39+s5+$0x0], $0xffff;
	_ =	sdelay $0x3  }
0xef: {  	v54 =	vsel vm0, v54, v61  }
0xf0: {  	v54 =	vsel vm1, v62, v54  }
0xf1: {  	[tilespmem:$0x2310] =	vst v54  }
0xf2: {  	v54 =	vld.idx.msk [tilespmem:v37+s14+$0x0], $0xffff  }
0xf3: {  	v63 =	vld.idx.msk [tilespmem:v38+s9+$0x0], $0xffff  }
0xf4: {  	v60 =	vld.idx.msk [tilespmem:v40+s5+$0x0], $0xffff;
	_ =	sdelay $0x3  }
0xf5: {  	v54 =	vsel vm0, v54, v63  }
0xf6: {  	v54 =	vsel vm1, v60, v54  }
0xf7: {  	[tilespmem:$0x2320] =	vst v54  }
0xf8: {  	v54 =	vld.idx.msk [tilespmem:v37+s14+$0x0], $0xffff  }
0xf9: {  	v61 =	vld.idx.msk [tilespmem:v38+s9+$0x0], $0xffff  }
0xfa: {  	v62 =	vld.idx.msk [tilespmem:v41+s5+$0x0], $0xffff;
	_ =	sdelay $0x3  }
0xfb: {  	v54 =	vsel vm0, v54, v61  }
0xfc: {  	v54 =	vsel vm1, v62, v54  }
0xfd: {  	[tilespmem:$0x2330] =	vst v54  }
0xfe: {  	v54 =	vld.idx.msk [tilespmem:v37+s14+$0x0], $0xffff  }
0xff: {  	v63 =	vld.idx.msk [tilespmem:v38+s9+$0x0], $0xffff  }
0x100: {  	v60 =	vld.idx.msk [tilespmem:v42+s5+$0x0], $0xffff;
	_ =	sdelay $0x3  }
0x101: {  	v54 =	vsel vm0, v54, v63  }
0x102: {  	v54 =	vsel vm1, v60, v54  }
0x103: {  	[tilespmem:$0x2340] =	vst v54  }
0x104: {  	v54 =	vld.idx.msk [tilespmem:v37+s14+$0x0], $0xffff  }
0x105: {  	v61 =	vld.idx.msk [tilespmem:v38+s9+$0x0], $0xffff  }
0x106: {  	v62 =	vld.idx.msk [tilespmem:v43+s5+$0x0], $0xffff;
	_ =	sdelay $0x3  }
0x107: {  	v54 =	vsel vm0, v54, v61  }
0x108: {  	v54 =	vsel vm1, v62, v54  }
0x109: {  	[tilespmem:$0x2350] =	vst v54  }
0x10a: {  	v54 =	vld.idx.msk [tilespmem:v37+s14+$0x0], $0xffff  }
0x10b: {  	v63 =	vld.idx.msk [tilespmem:v38+s9+$0x0], $0xffff  }
0x10c: {  	v60 =	vld.idx.msk [tilespmem:v44+s5+$0x0], $0xffff;
	_ =	sdelay $0x3  }
0x10d: {  	v54 =	vsel vm0, v54, v63  }
0x10e: {  	v54 =	vsel vm1, v60, v54  }
0x10f: {  	[tilespmem:$0x2360] =	vst v54  }
0x110: {  	v54 =	vld.idx.msk [tilespmem:v37+s14+$0x0], $0xffff  }
0x111: {  	v61 =	vld.idx.msk [tilespmem:v38+s9+$0x0], $0xffff  }
0x112: {  	v62 =	vld.idx.msk [tilespmem:v45+s5+$0x0], $0xffff;
	_ =	sdelay $0x3  }
0x113: {  	v54 =	vsel vm0, v54, v61  }
0x114: {  	v54 =	vsel vm1, v62, v54  }
0x115: {  	[tilespmem:$0x2370] =	vst v54  }
0x116: {  	v54 =	vld.idx.msk [tilespmem:v37+s14+$0x0], $0xffff  }
0x117: {  	v63 =	vld.idx.msk [tilespmem:v38+s9+$0x0], $0xffff  }
0x118: {  	v60 =	vld.idx.msk [tilespmem:v46+s5+$0x0], $0xffff;
	_ =	sdelay $0x3  }
0x119: {  	v54 =	vsel vm0, v54, v63  }
0x11a: {  	v54 =	vsel vm1, v60, v54  }
0x11b: {  	[tilespmem:$0x2700] =	vst v54  }
0x11c: {  	v54 =	vld.idx.msk [tilespmem:v37+s14+$0x0], $0xffff  }
0x11d: {  	v61 =	vld.idx.msk [tilespmem:v38+s9+$0x0], $0xffff  }
0x11e: {  	v62 =	vld.idx.msk [tilespmem:v47+s5+$0x0], $0xffff;
	_ =	sdelay $0x3  }
0x11f: {  	v54 =	vsel vm0, v54, v61  }
0x120: {  	v54 =	vsel vm1, v62, v54  }
0x121: {  	[tilespmem:$0x2710] =	vst v54  }
0x122: {  	v54 =	vld.idx.msk [tilespmem:v37+s14+$0x0], $0xffff  }
0x123: {  	v63 =	vld.idx.msk [tilespmem:v38+s9+$0x0], $0xffff  }
0x124: {  	v60 =	vld.idx.msk [tilespmem:v48+s5+$0x0], $0xffff;
	_ =	sdelay $0x3  }
0x125: {  	v54 =	vsel vm0, v54, v63  }
0x126: {  	v54 =	vsel vm1, v60, v54  }
0x127: {  	[tilespmem:$0x2720] =	vst v54  }
0x128: {  	v54 =	vld.idx.msk [tilespmem:v37+s14+$0x0], $0xffff  }
0x129: {  	v61 =	vld.idx.msk [tilespmem:v38+s9+$0x0], $0xffff  }
0x12a: {  	v62 =	vld.idx.msk [tilespmem:v49+s5+$0x0], $0xffff;
	_ =	sdelay $0x3  }
0x12b: {  	v54 =	vsel vm0, v54, v61  }
0x12c: {  	v54 =	vsel vm1, v62, v54  }
0x12d: {  	[tilespmem:$0x2730] =	vst v54  }
0x12e: {  	v54 =	vld.idx.msk [tilespmem:v37+s14+$0x0], $0xffff  }
0x12f: {  	v63 =	vld.idx.msk [tilespmem:v38+s9+$0x0], $0xffff  }
0x130: {  	v60 =	vld.idx.msk [tilespmem:v50+s5+$0x0], $0xffff;
	_ =	sdelay $0x3  }
0x131: {  	v54 =	vsel vm0, v54, v63  }
0x132: {  	v54 =	vsel vm1, v60, v54  }
0x133: {  	[tilespmem:$0x2740] =	vst v54  }
0x134: {  	v54 =	vld.idx.msk [tilespmem:v37+s14+$0x0], $0xffff  }
0x135: {  	v61 =	vld.idx.msk [tilespmem:v38+s9+$0x0], $0xffff  }
0x136: {  	v62 =	vld.idx.msk [tilespmem:v51+s5+$0x0], $0xffff;
	_ =	sdelay $0x3  }
0x137: {  	v54 =	vsel vm0, v54, v61  }
0x138: {  	v54 =	vsel vm1, v62, v54  }
0x139: {  	[tilespmem:$0x2750] =	vst v54  }
0x13a: {  	v54 =	vld.idx.msk [tilespmem:v37+s14+$0x0], $0xffff  }
0x13b: {  	v63 =	vld.idx.msk [tilespmem:v38+s9+$0x0], $0xffff  }
0x13c: {  	v60 =	vld.idx.msk [tilespmem:v52+s5+$0x0], $0xffff;
	_ =	sdelay $0x3  }
0x13d: {  	v61 =	vld [tilespmem:$0x300];
	v54 =	vsel vm0, v54, v63  }
0x13e: {  	v54 =	vsel vm1, v60, v54  }
0x13f: {  	s13 =	simm.s32 $0x80;
	[tilespmem:$0x2760] =	vst v54  }
0x140: {  	s15 =	sand.u32 $0x800, s14;
	s16 =	sand.u32 $0x380, s13;
	v54 =	vld.idx.msk [tilespmem:v53+s5+$0x0], $0xffff  }
0x141: {  	s15 =	sor.u32 s16, s15;
	v62 =	vld.idx.msk [tilespmem:v37+s14+$0x0], $0xffff  }
0x142: {  	v57 =	vld.idx.msk [tilespmem:v38+s9+$0x0], $0xffff;
	[tilespmem:s15+$0x300] =	vst v61  }
0x143: {  	v55 =	vld [tilespmem:$0x310];
	_ =	sdelay $0x4  }
0x144: {  	[tilespmem:s15+$0x310] =	vst v55  }
0x145: {  	v55 =	vld [tilespmem:$0x320];
	_ =	sdelay $0x4  }
0x146: {  	[tilespmem:s15+$0x320] =	vst v55  }
0x147: {  	v55 =	vld [tilespmem:$0x330];
	_ =	sdelay $0x4  }
0x148: {  	[tilespmem:s15+$0x330] =	vst v55  }
0x149: {  	v55 =	vld [tilespmem:$0x340];
	_ =	sdelay $0x4  }
0x14a: {  	[tilespmem:s15+$0x340] =	vst v55  }
0x14b: {  	v55 =	vld [tilespmem:$0x350];
	_ =	sdelay $0x4  }
0x14c: {  	[tilespmem:s15+$0x350] =	vst v55  }
0x14d: {  	v55 =	vld [tilespmem:$0x360];
	_ =	sdelay $0x4  }
0x14e: {  	[tilespmem:s15+$0x360] =	vst v55  }
0x14f: {  	v55 =	vld [tilespmem:$0x370];
	_ =	sdelay $0x4  }
0x150: {  	[tilespmem:s15+$0x370] =	vst v55  }
0x151: {  	v55 =	vld [tilespmem:$0x700];
	_ =	sdelay $0x4  }
0x152: {  	[tilespmem:s15+$0x700] =	vst v55  }
0x153: {  	v55 =	vld [tilespmem:$0x710];
	_ =	sdelay $0x4  }
0x154: {  	[tilespmem:s15+$0x710] =	vst v55  }
0x155: {  	v55 =	vld [tilespmem:$0x720];
	_ =	sdelay $0x4  }
0x156: {  	[tilespmem:s15+$0x720] =	vst v55  }
0x157: {  	v55 =	vld [tilespmem:$0x730];
	_ =	sdelay $0x4  }
0x158: {  	[tilespmem:s15+$0x730] =	vst v55  }
0x159: {  	v55 =	vld [tilespmem:$0x740];
	_ =	sdelay $0x4  }
0x15a: {  	[tilespmem:s15+$0x740] =	vst v55  }
0x15b: {  	v55 =	vld [tilespmem:$0x750];
	_ =	sdelay $0x4  }
0x15c: {  	[tilespmem:s15+$0x750] =	vst v55  }
0x15d: {  	v55 =	vld [tilespmem:$0x760];
	_ =	sdelay $0x4  }
0x15e: {  	[tilespmem:s15+$0x760] =	vst v55  }
0x15f: {  	v55 =	vld [tilespmem:$0x770];
	_ =	sdelay $0x4  }
0x160: {  	[tilespmem:s15+$0x770] =	vst v55  }
0x161: {  	v55 =	vld [tilespmem:$0x1300];
	_ =	sdelay $0x4  }
0x162: {  	[tilespmem:s15+$0x1300] =	vst v55  }
0x163: {  	v55 =	vld [tilespmem:$0x1310];
	_ =	sdelay $0x4  }
0x164: {  	[tilespmem:s15+$0x1310] =	vst v55  }
0x165: {  	v55 =	vld [tilespmem:$0x1320];
	_ =	sdelay $0x4  }
0x166: {  	[tilespmem:s15+$0x1320] =	vst v55  }
0x167: {  	v55 =	vld [tilespmem:$0x1330];
	_ =	sdelay $0x4  }
0x168: {  	[tilespmem:s15+$0x1330] =	vst v55  }
0x169: {  	v55 =	vld [tilespmem:$0x1340];
	_ =	sdelay $0x4  }
0x16a: {  	[tilespmem:s15+$0x1340] =	vst v55  }
0x16b: {  	v55 =	vld [tilespmem:$0x1350];
	_ =	sdelay $0x4  }
0x16c: {  	[tilespmem:s15+$0x1350] =	vst v55  }
0x16d: {  	v55 =	vld [tilespmem:$0x1360];
	_ =	sdelay $0x4  }
0x16e: {  	[tilespmem:s15+$0x1360] =	vst v55  }
0x16f: {  	v55 =	vld [tilespmem:$0x1370];
	_ =	sdelay $0x4  }
0x170: {  	[tilespmem:s15+$0x1370] =	vst v55  }
0x171: {  	v55 =	vld [tilespmem:$0x1700];
	_ =	sdelay $0x1  }
0x172: {  	s14 =	sand.u32 $0xFFFFF800, s14;
	v56 =	vsel vm0, v62, v57  }
0x173: {  	s14 =	sadd.s32 $0x80, s14;
	v54 =	vsel vm1, v54, v56  }
0x174: {  	s31 =	sor.u32 $0x1400, s14;
	[tilespmem:$0x2770] =	vst v54  }
0x175: {  	[tilespmem:s31+$0x300] =	vst v55  }
0x176: {  	v63 =	vld [tilespmem:$0x1710];
	_ =	sdelay $0x4  }
0x177: {  	[tilespmem:s31+$0x310] =	vst v63  }
0x178: {  	v54 =	vld [tilespmem:$0x1720];
	_ =	sdelay $0x4  }
0x179: {  	[tilespmem:s31+$0x320] =	vst v54  }
0x17a: {  	v54 =	vld [tilespmem:$0x1730];
	_ =	sdelay $0x4  }
0x17b: {  	[tilespmem:s31+$0x330] =	vst v54  }
0x17c: {  	v54 =	vld [tilespmem:$0x1740];
	_ =	sdelay $0x4  }
0x17d: {  	[tilespmem:s31+$0x340] =	vst v54  }
0x17e: {  	v54 =	vld [tilespmem:$0x1750];
	_ =	sdelay $0x4  }
0x17f: {  	[tilespmem:s31+$0x350] =	vst v54  }
0x180: {  	v54 =	vld [tilespmem:$0x1760];
	_ =	sdelay $0x4  }
0x181: {  	[tilespmem:s31+$0x360] =	vst v54  }
0x182: {  	v54 =	vld [tilespmem:$0x1770];
	_ =	sdelay $0x4  }
0x183: {  	[tilespmem:s31+$0x370] =	vst v54  }
0x184: {  	v54 =	vld [tilespmem:$0x2300];
	_ =	sdelay $0x4  }
0x185: {  	[tilespmem:s15+$0x2300] =	vst v54  }
0x186: {  	v54 =	vld [tilespmem:$0x2310];
	_ =	sdelay $0x4  }
0x187: {  	[tilespmem:s15+$0x2310] =	vst v54  }
0x188: {  	v54 =	vld [tilespmem:$0x2320];
	_ =	sdelay $0x4  }
0x189: {  	[tilespmem:s15+$0x2320] =	vst v54  }
0x18a: {  	v54 =	vld [tilespmem:$0x2330];
	_ =	sdelay $0x4  }
0x18b: {  	[tilespmem:s15+$0x2330] =	vst v54  }
0x18c: {  	v54 =	vld [tilespmem:$0x2340];
	_ =	sdelay $0x4  }
0x18d: {  	[tilespmem:s15+$0x2340] =	vst v54  }
0x18e: {  	v54 =	vld [tilespmem:$0x2350];
	_ =	sdelay $0x4  }
0x18f: {  	[tilespmem:s15+$0x2350] =	vst v54  }
0x190: {  	v54 =	vld [tilespmem:$0x2360];
	_ =	sdelay $0x4  }
0x191: {  	[tilespmem:s15+$0x2360] =	vst v54  }
0x192: {  	v54 =	vld [tilespmem:$0x2370];
	_ =	sdelay $0x4  }
0x193: {  	[tilespmem:s15+$0x2370] =	vst v54  }
0x194: {  	v54 =	vld [tilespmem:$0x2700];
	_ =	sdelay $0x3  }
0x195: {  	s15 =	sor.u32 $0x2400, s14  }
0x196: {  	[tilespmem:s15+$0x300] =	vst v54  }
0x197: {  	v54 =	vld [tilespmem:$0x2710];
	_ =	sdelay $0x4  }
0x198: {  	[tilespmem:s15+$0x310] =	vst v54  }
0x199: {  	v54 =	vld [tilespmem:$0x2720];
	_ =	sdelay $0x4  }
0x19a: {  	[tilespmem:s15+$0x320] =	vst v54  }
0x19b: {  	v54 =	vld [tilespmem:$0x2730];
	_ =	sdelay $0x4  }
0x19c: {  	[tilespmem:s15+$0x330] =	vst v54  }
0x19d: {  	v54 =	vld [tilespmem:$0x2740];
	_ =	sdelay $0x4  }
0x19e: {  	[tilespmem:s15+$0x340] =	vst v54  }
0x19f: {  	v54 =	vld [tilespmem:$0x2750];
	_ =	sdelay $0x4  }
0x1a0: {  	[tilespmem:s15+$0x350] =	vst v54  }
0x1a1: {  	v54 =	vld [tilespmem:$0x2760];
	_ =	sdelay $0x4  }
0x1a2: {  	[tilespmem:s15+$0x360] =	vst v54  }
0x1a3: {  	s14 =	simm.s32 $0x200;
	v54 =	vld [tilespmem:$0x2770]  }
.LBB2_2:
0x1a4: {  	_ =	sdelay $0x2  }
0x1a5: {  	p0 =	sne.s32 s14, $0xF00  }
0x1a6: {  	s13 =	sadd.s32 $0x80, s13;
	s16 =	smov.u32 s14;
	s14 =	sadd.s32 $0x100, s14;
	[tilespmem:s15+$0x370] =	vst v54  }
0x1a7: {  	v54 =	vld [tilespmem:$0x300];
	_ =	sdelay $0x2  }
0x1a8: {  	s17 =	sand.u32 $0x380, s13;
	s15 =	sand.u32 $0x800, s16  }
0x1a9: {  	s15 =	sor.u32 s17, s15  }
0x1aa: {  	[tilespmem:s15+$0x300] =	vst v54  }
0x1ab: {  	v54 =	vld [tilespmem:$0x310];
	_ =	sdelay $0x4  }
0x1ac: {  	[tilespmem:s15+$0x310] =	vst v54  }
0x1ad: {  	v54 =	vld [tilespmem:$0x320];
	_ =	sdelay $0x4  }
0x1ae: {  	[tilespmem:s15+$0x320] =	vst v54  }
0x1af: {  	v54 =	vld [tilespmem:$0x330];
	_ =	sdelay $0x4  }
0x1b0: {  	[tilespmem:s15+$0x330] =	vst v54  }
0x1b1: {  	v54 =	vld [tilespmem:$0x340];
	_ =	sdelay $0x4  }
0x1b2: {  	[tilespmem:s15+$0x340] =	vst v54  }
0x1b3: {  	v54 =	vld [tilespmem:$0x350];
	_ =	sdelay $0x4  }
0x1b4: {  	[tilespmem:s15+$0x350] =	vst v54  }
0x1b5: {  	v54 =	vld [tilespmem:$0x360];
	_ =	sdelay $0x4  }
0x1b6: {  	[tilespmem:s15+$0x360] =	vst v54  }
0x1b7: {  	v54 =	vld [tilespmem:$0x370];
	_ =	sdelay $0x4  }
0x1b8: {  	[tilespmem:s15+$0x370] =	vst v54  }
0x1b9: {  	v54 =	vld [tilespmem:$0x700];
	_ =	sdelay $0x4  }
0x1ba: {  	[tilespmem:s15+$0x700] =	vst v54  }
0x1bb: {  	v54 =	vld [tilespmem:$0x710];
	_ =	sdelay $0x4  }
0x1bc: {  	[tilespmem:s15+$0x710] =	vst v54  }
0x1bd: {  	v54 =	vld [tilespmem:$0x720];
	_ =	sdelay $0x4  }
0x1be: {  	[tilespmem:s15+$0x720] =	vst v54  }
0x1bf: {  	v54 =	vld [tilespmem:$0x730];
	_ =	sdelay $0x4  }
0x1c0: {  	[tilespmem:s15+$0x730] =	vst v54  }
0x1c1: {  	v54 =	vld [tilespmem:$0x740];
	_ =	sdelay $0x4  }
0x1c2: {  	[tilespmem:s15+$0x740] =	vst v54  }
0x1c3: {  	v54 =	vld [tilespmem:$0x750];
	_ =	sdelay $0x4  }
0x1c4: {  	[tilespmem:s15+$0x750] =	vst v54  }
0x1c5: {  	v54 =	vld [tilespmem:$0x760];
	_ =	sdelay $0x4  }
0x1c6: {  	[tilespmem:s15+$0x760] =	vst v54  }
0x1c7: {  	v54 =	vld [tilespmem:$0x770];
	_ =	sdelay $0x4  }
0x1c8: {  	[tilespmem:s15+$0x770] =	vst v54  }
0x1c9: {  	v54 =	vld [tilespmem:$0x1300];
	_ =	sdelay $0x4  }
0x1ca: {  	[tilespmem:s15+$0x1300] =	vst v54  }
0x1cb: {  	v54 =	vld [tilespmem:$0x1310];
	_ =	sdelay $0x4  }
0x1cc: {  	[tilespmem:s15+$0x1310] =	vst v54  }
0x1cd: {  	v54 =	vld [tilespmem:$0x1320];
	_ =	sdelay $0x4  }
0x1ce: {  	[tilespmem:s15+$0x1320] =	vst v54  }
0x1cf: {  	v54 =	vld [tilespmem:$0x1330];
	_ =	sdelay $0x4  }
0x1d0: {  	[tilespmem:s15+$0x1330] =	vst v54  }
0x1d1: {  	v54 =	vld [tilespmem:$0x1340];
	_ =	sdelay $0x4  }
0x1d2: {  	[tilespmem:s15+$0x1340] =	vst v54  }
0x1d3: {  	v54 =	vld [tilespmem:$0x1350];
	_ =	sdelay $0x4  }
0x1d4: {  	[tilespmem:s15+$0x1350] =	vst v54  }
0x1d5: {  	v54 =	vld [tilespmem:$0x1360];
	_ =	sdelay $0x4  }
0x1d6: {  	[tilespmem:s15+$0x1360] =	vst v54  }
0x1d7: {  	v54 =	vld [tilespmem:$0x1370];
	_ =	sdelay $0x4  }
0x1d8: {  	[tilespmem:s15+$0x1370] =	vst v54  }
0x1d9: {  	v54 =	vld [tilespmem:$0x1700];
	_ =	sdelay $0x1  }
0x1da: {  	s16 =	sand.u32 $0xFFFFF800, s16  }
0x1db: {  	s16 =	sadd.s32 s16, s13  }
0x1dc: {  	s17 =	sor.u32 $0x1400, s16  }
0x1dd: {  	[tilespmem:s17+$0x300] =	vst v54  }
0x1de: {  	v54 =	vld [tilespmem:$0x1710];
	_ =	sdelay $0x4  }
0x1df: {  	[tilespmem:s17+$0x310] =	vst v54  }
0x1e0: {  	v54 =	vld [tilespmem:$0x1720];
	_ =	sdelay $0x4  }
0x1e1: {  	[tilespmem:s17+$0x320] =	vst v54  }
0x1e2: {  	v54 =	vld [tilespmem:$0x1730];
	_ =	sdelay $0x4  }
0x1e3: {  	[tilespmem:s17+$0x330] =	vst v54  }
0x1e4: {  	v54 =	vld [tilespmem:$0x1740];
	_ =	sdelay $0x4  }
0x1e5: {  	[tilespmem:s17+$0x340] =	vst v54  }
0x1e6: {  	v54 =	vld [tilespmem:$0x1750];
	_ =	sdelay $0x4  }
0x1e7: {  	[tilespmem:s17+$0x350] =	vst v54  }
0x1e8: {  	v54 =	vld [tilespmem:$0x1760];
	_ =	sdelay $0x4  }
0x1e9: {  	[tilespmem:s17+$0x360] =	vst v54  }
0x1ea: {  	v54 =	vld [tilespmem:$0x1770];
	_ =	sdelay $0x4  }
0x1eb: {  	[tilespmem:s17+$0x370] =	vst v54  }
0x1ec: {  	v54 =	vld [tilespmem:$0x2300];
	_ =	sdelay $0x4  }
0x1ed: {  	[tilespmem:s15+$0x2300] =	vst v54  }
0x1ee: {  	v54 =	vld [tilespmem:$0x2310];
	_ =	sdelay $0x4  }
0x1ef: {  	[tilespmem:s15+$0x2310] =	vst v54  }
0x1f0: {  	v54 =	vld [tilespmem:$0x2320];
	_ =	sdelay $0x4  }
0x1f1: {  	[tilespmem:s15+$0x2320] =	vst v54  }
0x1f2: {  	v54 =	vld [tilespmem:$0x2330];
	_ =	sdelay $0x4  }
0x1f3: {  	[tilespmem:s15+$0x2330] =	vst v54  }
0x1f4: {  	v54 =	vld [tilespmem:$0x2340];
	_ =	sdelay $0x4  }
0x1f5: {  	[tilespmem:s15+$0x2340] =	vst v54  }
0x1f6: {  	v54 =	vld [tilespmem:$0x2350];
	_ =	sdelay $0x4  }
0x1f7: {  	[tilespmem:s15+$0x2350] =	vst v54  }
0x1f8: {  	v54 =	vld [tilespmem:$0x2360];
	_ =	sdelay $0x4  }
0x1f9: {  	[tilespmem:s15+$0x2360] =	vst v54  }
0x1fa: {  	v54 =	vld [tilespmem:$0x2370];
	_ =	sdelay $0x4  }
0x1fb: {  	[tilespmem:s15+$0x2370] =	vst v54  }
0x1fc: {  	v54 =	vld [tilespmem:$0x2700];
	_ =	sdelay $0x3  }
0x1fd: {  	s15 =	sor.u32 $0x2400, s16  }
0x1fe: {  	[tilespmem:s15+$0x300] =	vst v54  }
0x1ff: {  	v54 =	vld [tilespmem:$0x2710];
	_ =	sdelay $0x4  }
0x200: {  	[tilespmem:s15+$0x310] =	vst v54  }
0x201: {  	v54 =	vld [tilespmem:$0x2720];
	_ =	sdelay $0x4  }
0x202: {  	[tilespmem:s15+$0x320] =	vst v54  }
0x203: {  	v54 =	vld [tilespmem:$0x2730];
	_ =	sdelay $0x4  }
0x204: {  	[tilespmem:s15+$0x330] =	vst v54  }
0x205: {  	v54 =	vld [tilespmem:$0x2740];
	_ =	sdelay $0x4  }
0x206: {  	[tilespmem:s15+$0x340] =	vst v54  }
0x207: {  	v54 =	vld [tilespmem:$0x2750];
	_ =	sdelay $0x4  }
0x208: {  	[tilespmem:s15+$0x350] =	vst v54  }
0x209: {  	v54 =	vld [tilespmem:$0x2760];
	_ =	sdelay $0x1  }
.Ltmp0:
0x20a: {  	(pc) =	sbr.rel @p0 .LBB2_2-.Ltmp0, $3  }
0x20b: {  	_ =	sdelay $0x1  }
0x20c: {  	[tilespmem:s15+$0x360] =	vst v54  }
0x20d: {  	v54 =	vld [tilespmem:$0x2770]  }
0x20e: {  	_ =	sdelay $0x2  }
0x20f: {  	p0 =	por $0x1, $0x1  }
0x210: {  	[tilespmem:s15+$0x370] =	vst v54;
	s15 =	simm.s32 @!p0 $0x1  }
0x211: {  	[hbm4b:s7+s5] =	stream.linear.scatter [tilespmem:s10], [sflag:$0x1], $0x3000, $0x38;
	[tilespmem:$0x3300] =	vst v63  }
0x212: {  	_ =	swait.ge @!p0 [sflag:s15], $0x3000  }
0x213: {  	s13 =	simm.s32 $0x1;
	s14 =	smov.u32 s7;
	[sflag:s15] =	ssyncset.done @!p0 $0x0  }
.LBB2_4:
0x214: {  	[sflag:s15] =	ssyncadd.s32 @!p0 $0xFFFFD000  }
0x215: {  	s14 =	sadd.s32 $0x6000, s14;
	s15 =	smov.u32 s13;
	s13 =	sadd.s32 $0x1, s13  }
0x216: {  	p1 =	sne.s32 s13, $0x40  }
0x217: {  	[hbm4b:s14+s5] =	stream.linear.scatter [tilespmem:s10], [sflag:$0x1], $0x3000, $0x38;
	[tilespmem:$0x3300] =	vst v63  }
.Ltmp1:
0x218: {  	_ = 	snop;
	(pc) =	sbr.rel @p1 .LBB2_4-.Ltmp1, $4  }
0x219: {  	p0 =	slt.u32 s15, $0x8  }
0x21a: {  	s15 =	simm.s32 @!p0 $0x1  }
0x21b: {  	_ =	swait.ge @!p0 [sflag:s15], $0x3000  }
0x21c: {  	[sflag:s15] =	ssyncset.done @!p0 $0x0  }
0x21d: {  	[sflag:s15] =	ssyncadd.s32 @!p0 $0xFFFFD000  }
0x21e: {  	_ =	swait.ge [sflag:s11], $0x3000  }
0x21f: {  	[sflag:s11] =	ssyncset.done $0x0  }
0x220: {  	[sflag:s11] =	ssyncadd.s32 $0xFFFFD000  }
0x221: {  	_ =	swait.ge [sflag:s11], $0x3000  }
0x222: {  	[sflag:s11] =	ssyncset.done $0x0  }
0x223: {  	[sflag:s11] =	ssyncadd.s32 $0xFFFFD000  }
0x224: {  	_ =	swait.ge [sflag:s11], $0x3000  }
0x225: {  	[sflag:s11] =	ssyncset.done $0x0  }
0x226: {  	[sflag:s11] =	ssyncadd.s32 $0xFFFFD000  }
0x227: {  	_ =	swait.ge [sflag:s11], $0x3000  }
0x228: {  	[sflag:s11] =	ssyncset.done $0x0  }
0x229: {  	[sflag:s11] =	ssyncadd.s32 $0xFFFFD000  }
0x22a: {  	_ =	swait.ge [sflag:s11], $0x3000  }
0x22b: {  	[sflag:s11] =	ssyncset.done $0x0  }
0x22c: {  	[sflag:s11] =	ssyncadd.s32 $0xFFFFD000  }
0x22d: {  	_ =	swait.ge [sflag:s11], $0x3000  }
0x22e: {  	[sflag:s11] =	ssyncset.done $0x0  }
0x22f: {  	s12 =	sadd.s32 $0x1, s12;
	[sflag:s11] =	ssyncadd.s32 $0xFFFFD000  }
0x230: {  	p0 =	sne.s32 s12, s6;
	_ =	swait.ge [sflag:s11], $0x3000  }
.Ltmp2:
0x231: {  	[sflag:s11] =	ssyncset.done $0x0;
	(pc) =	sbr.rel @p0 .LBB2_1-.Ltmp2, $4  }
0x232: {  	[sflag:s11] =	ssyncadd.s32 $0xFFFFD000  }
0x233: {  	_ =	swait.ge [sflag:s11], $0x3000  }
0x234: {  	[sflag:s11] =	ssyncset.done $0x0  }
0x235: {  	[sflag:s11] =	ssyncadd.s32 $0xFFFFD000  }
0x236: {  	_ =	sfence.sel $0x180000  }
0x237: {  	[bflag:$0x0] =	sbarrier.arrive $0xFFFF  }
0x238: {  	p0 =	sne.s32 s0, $0x0;
	_ =	strace $0x90000047  }
0x239: {  	s0 =	sadd.s32 @!p0 $0x100000, s4;
	[bflag:$0x2] =	sbarrier.arrive $0xFFFF  }
0x23a: {  	[sflag:s0] =	ssyncadd.tile.s32 @!p0 $0x1;
	_ =	shalt  }
.Lfunc_end2:
_tile_overlayer_lowered:
.L_overlay_start_2:
0x23b: {  	(tag) =	ssettag $0x2  }
0x23c: {  	s0 =	rddreg [dreg:$0x0];
	s2 =	stileid.u32  }
0x23d: {  	s1 =	rddreg [dreg:$0x1];
	p0 =	sne.s32 s2, $0x0  }
0x23e: {  	s3 =	rddreg [dreg:$0x2];
	[bflag:$0x3] =	sbarrier.arrive $0xFFFF;
	s2 =	simm.s32 @!p0 $0x1C02  }
0x23f: {  	[timem:s3], [sflag:s2] =	dma.local @!p0 [hbm:s0], s1  }
0x240: {  	s0 =	simm.s32 @!p0 $0x2  }
0x241: {  	_ =	swait.ge @!p0 [sflag:s0], s1  }
0x242: {  	s1 =	ssub.s32 @!p0 $0x0, s1;
	[sflag:s0] =	ssyncset.done @!p0 $0x0  }
0x243: {  	[sflag:s0] =	ssyncadd.s32 @!p0 s1  }
0x244: {  	[bflag:$0x3] =	sbarrier.arrive $0xFFFF  }
0x245: {  	_ =	shalt  }

</sc_bundles>
